<compile_context>
chip_gen: v7x
topology: tpu7x:2x2x1
jax: 0.10.2.dev20260603
libtpu: 0.0.44.dev20260713+nightly
codegen_flags: <defaults>
</compile_context>

<pallas_src>
import functools

import jax
import jax.numpy as jnp
from jax import lax
from jax.experimental import pallas as pl
from jax.experimental.pallas import tpu as pltpu
from jax.experimental.pallas import tpu_sc as plsc

NC = 2
NS = 16
NW = NC * NS
L = 16
D = 128
GPB = 25
GU = 5


GPB2 = 40
GU2 = 8


@functools.lru_cache(maxsize=None)
def _build_sc_raw(E: int, nsb: int):
    epw = nsb * GPB2 * L
    mesh = plsc.VectorSubcoreMesh(
        core_axis_name="c", subcore_axis_name="s",
        num_cores=NC, num_subcores=NS)

    def body(ei_hbm, typ_hbm, rel_hbm, uns_hbm, att_hbm,
             nid_hbm, ent_hbm, rtab_hbm,
             part_hbm, cnt_hbm,
             dstb, attv, unsv, idxbuf, srcbuf, typbuf, relbuf, nid16,
             ent_rows, rel_rows, acc, cntv,
             sem_s, sem_t, sem_r, sem_n, sem_e, sem_rr, sem_d2):
        wid = lax.axis_index("s") * NC + lax.axis_index("c")
        wlow = wid * epw
        s_w = jnp.minimum(wlow, E - epw)
        h = epw // 2
        cp0 = pltpu.async_copy(ei_hbm.at[:, pl.ds(s_w, h)],
                               dstb.at[:, pl.ds(0, h)], sem_s)
        cp1 = pltpu.async_copy(ei_hbm.at[:, pl.ds(s_w + h, h)],
                               dstb.at[:, pl.ds(h, h)], sem_d2)
        pltpu.sync_copy(att_hbm, attv)
        pltpu.sync_copy(uns_hbm, unsv)
        zf = jnp.zeros((L,), jnp.float32)
        for j in range(32):
            acc[pl.ds(j * L, L)] = zf
        cntv[:] = zf
        unseen = unsv[:]
        lanes = lax.iota(jnp.int32, L)

        def sb_body(sb, carry0):
            base_g = sb * GPB2

            def fast_body(k, m):
                base = (base_g + k * GU2) * L
                for u in range(GU2):
                    d = dstb[1, pl.ds(base + u * L, L)]
                    m = m | (d == unseen).astype(jnp.int32)
                return m

            orv = lax.fori_loop(0, GPB2 // GU2, fast_body,
                                jnp.zeros((L,), jnp.int32))

            @pl.when(jnp.max(orv) > 0)
            def _rescan():
                def dg_body(g, c):
                    row = base_g + g
                    ps = s_w + row * L
                    d = dstb[1, pl.ds(row * L, L)]
                    mask = (d == unseen) & (ps + lanes >= wlow)

                    @pl.when(jnp.any(mask))
                    def _hit_group():
                        idxbuf[:] = ps + lanes
                        cp_t = pltpu.async_copy(typ_hbm.at[idxbuf], typbuf,
                                                sem_t)
                        cp_r = pltpu.async_copy(rel_hbm.at[idxbuf], relbuf,
                                                sem_r)
                        srcbuf[:] = dstb[0, pl.ds(row * L, L)]
                        cp_t.wait()
                        cp_r.wait()
                        cp_n = pltpu.async_copy(nid_hbm.at[srcbuf], nid16,
                                                sem_n)
                        cp_rr = pltpu.async_copy(rtab_hbm.at[relbuf], rel_rows,
                                                 sem_rr)
                        cp_n.wait()
                        cp_e = pltpu.async_copy(ent_hbm.at[nid16], ent_rows,
                                                sem_e)
                        typv = typbuf[:]
                        maskf = jnp.where(mask, 1.0, 0.0)
                        w0 = plsc.load_gather(attv.at[:], [typv * 2]) * maskf
                        w1 = plsc.load_gather(attv.at[:], [typv * 2 + 1]) * maskf
                        cntv[:] = cntv[:] + maskf
                        cp_rr.wait()
                        cp_e.wait()

                        def lane_body(t, c2):
                            tv = jnp.full((L,), t, jnp.int32)
                            w0s = w0[tv]
                            w1s = w1[tv]
                            for j in range(8):
                                sl = pl.ds(j * L, L)
                                e = ent_rows[t, sl]
                                r = rel_rows[t, sl]
                                acc[sl] += w0s * e
                                acc[pl.ds(128 + j * L, L)] += w0s * r
                                acc[pl.ds(256 + j * L, L)] += w1s * e
                                acc[pl.ds(384 + j * L, L)] += w1s * r
                            return c2

                        lax.fori_loop(0, L, lane_body, 0)

                    return c

                lax.fori_loop(0, GPB2, dg_body, 0)

            return carry0

        cp0.wait()
        lax.fori_loop(0, nsb // 2, sb_body, 0)
        cp1.wait()
        lax.fori_loop(nsb // 2, nsb, sb_body, 0)
        pltpu.sync_copy(acc, part_hbm.at[pl.ds(wid * 512, 512)])
        pltpu.sync_copy(cntv, cnt_hbm.at[pl.ds(wid * L, L)])

    return pl.kernel(
        body,
        out_type=[jax.ShapeDtypeStruct((NW * 512,), jnp.float32),
                  jax.ShapeDtypeStruct((NW * L,), jnp.float32)],
        mesh=mesh,
        compiler_params=pltpu.CompilerParams(needs_layout_passes=False),
        scratch_types=[
            pltpu.VMEM((2, epw), jnp.int32),
            pltpu.VMEM((800,), jnp.float32),
            pltpu.VMEM((L,), jnp.int32),
            pltpu.VMEM((L,), jnp.int32),
            pltpu.VMEM((L,), jnp.int32),
            pltpu.VMEM((L,), jnp.int32),
            pltpu.VMEM((L,), jnp.int32),
            pltpu.VMEM((L,), jnp.int32),
            pltpu.VMEM((L, D), jnp.float32),
            pltpu.VMEM((L, D), jnp.float32),
            pltpu.VMEM((512,), jnp.float32),
            pltpu.VMEM((L,), jnp.float32),
            pltpu.SemaphoreType.DMA,
            pltpu.SemaphoreType.DMA,
            pltpu.SemaphoreType.DMA,
            pltpu.SemaphoreType.DMA,
            pltpu.SemaphoreType.DMA,
            pltpu.SemaphoreType.DMA,
            pltpu.SemaphoreType.DMA,
        ],
    )


@functools.lru_cache(maxsize=None)
def _build_sc(e_pad: int, nsb: int, sym: bool):
    epw = nsb * GPB * L
    mesh = plsc.VectorSubcoreMesh(
        core_axis_name="c", subcore_axis_name="s",
        num_cores=NC, num_subcores=NS)

    def body(src_hbm, typ_hbm, rel_hbm, uns_hbm, att_hbm,
             nid_hbm, ent_hbm, rtab_hbm,
             part_hbm, cnt_hbm,
             dstb, attv, unsv, idxbuf, srcbuf, typbuf, relbuf, nid16,
             ent_rows, rel_rows, acc, cntv,
             sem_s, sem_t, sem_r, sem_n, sem_e, sem_rr):
        wid = lax.axis_index("s") * NC + lax.axis_index("c")
        pltpu.sync_copy(att_hbm, attv)
        pltpu.sync_copy(uns_hbm, unsv)
        if sym:
            half = e_pad // 2
            shift = jnp.where(wid < NW // 2, half, -half)
        else:
            shift = e_pad
        pltpu.sync_copy(src_hbm.at[pl.ds(wid * epw + shift, epw)], dstb)
        zf = jnp.zeros((L,), jnp.float32)
        for j in range(32):
            acc[pl.ds(j * L, L)] = zf
        cntv[:] = zf
        unseen = unsv[:]
        lanes = lax.iota(jnp.int32, L)

        def sb_body(sb, carry0):
            base_g = sb * GPB

            def fast_body(k, m):
                base = (base_g + k * GU) * L
                for u in range(GU):
                    d = dstb[pl.ds(base + u * L, L)]
                    m = m | (d == unseen).astype(jnp.int32)
                return m

            orv = lax.fori_loop(0, GPB // GU, fast_body,
                                jnp.zeros((L,), jnp.int32))

            @pl.when(jnp.max(orv) > 0)
            def _rescan():
                def dg_body(g, c):
                    row = base_g + g
                    d = dstb[pl.ds(row * L, L)]
                    mask = d == unseen

                    @pl.when(jnp.any(mask))
                    def _hit_group():
                        ebase = wid * epw + row * L
                        idxbuf[:] = ebase + lanes
                        cp_s = pltpu.async_copy(src_hbm.at[idxbuf], srcbuf,
                                                sem_s)
                        cp_t = pltpu.async_copy(typ_hbm.at[idxbuf], typbuf,
                                                sem_t)
                        cp_r = pltpu.async_copy(rel_hbm.at[idxbuf], relbuf,
                                                sem_r)
                        cp_s.wait()
                        cp_t.wait()
                        cp_r.wait()
                        cp_n = pltpu.async_copy(nid_hbm.at[srcbuf], nid16,
                                                sem_n)
                        cp_rr = pltpu.async_copy(rtab_hbm.at[relbuf], rel_rows,
                                                 sem_rr)
                        cp_n.wait()
                        cp_e = pltpu.async_copy(ent_hbm.at[nid16], ent_rows,
                                                sem_e)
                        typv = typbuf[:]
                        maskf = jnp.where(mask, 1.0, 0.0)
                        w0 = plsc.load_gather(attv.at[:], [typv * 2]) * maskf
                        w1 = plsc.load_gather(attv.at[:], [typv * 2 + 1]) * maskf
                        cntv[:] = cntv[:] + maskf
                        cp_rr.wait()
                        cp_e.wait()

                        def lane_body(t, c2):
                            tv = jnp.full((L,), t, jnp.int32)
                            w0s = w0[tv]
                            w1s = w1[tv]
                            for j in range(8):
                                sl = pl.ds(j * L, L)
                                e = ent_rows[t, sl]
                                r = rel_rows[t, sl]
                                acc[sl] += w0s * e
                                acc[pl.ds(128 + j * L, L)] += w0s * r
                                acc[pl.ds(256 + j * L, L)] += w1s * e
                                acc[pl.ds(384 + j * L, L)] += w1s * r
                            return c2

                        lax.fori_loop(0, L, lane_body, 0)

                    return c

                lax.fori_loop(0, GPB, dg_body, 0)

            return carry0

        lax.fori_loop(0, nsb, sb_body, 0)
        pltpu.sync_copy(acc, part_hbm.at[pl.ds(wid * 512, 512)])
        pltpu.sync_copy(cntv, cnt_hbm.at[pl.ds(wid * L, L)])

    return pl.kernel(
        body,
        out_type=[jax.ShapeDtypeStruct((NW * 512,), jnp.float32),
                  jax.ShapeDtypeStruct((NW * L,), jnp.float32)],
        mesh=mesh,
        compiler_params=pltpu.CompilerParams(needs_layout_passes=False),
        scratch_types=[
            pltpu.VMEM((epw,), jnp.int32),
            pltpu.VMEM((800,), jnp.float32),
            pltpu.VMEM((L,), jnp.int32),
            pltpu.VMEM((L,), jnp.int32),
            pltpu.VMEM((L,), jnp.int32),
            pltpu.VMEM((L,), jnp.int32),
            pltpu.VMEM((L,), jnp.int32),
            pltpu.VMEM((L,), jnp.int32),
            pltpu.VMEM((L, D), jnp.float32),
            pltpu.VMEM((L, D), jnp.float32),
            pltpu.VMEM((512,), jnp.float32),
            pltpu.VMEM((L,), jnp.float32),
            pltpu.SemaphoreType.DMA,
            pltpu.SemaphoreType.DMA,
            pltpu.SemaphoreType.DMA,
            pltpu.SemaphoreType.DMA,
            pltpu.SemaphoreType.DMA,
            pltpu.SemaphoreType.DMA,
        ],
    )


def _combine_body(p_ref, c_ref, b_ref, o_ref):
    p = p_ref[...]
    v4 = jnp.sum(p.reshape(NW, 4, D), axis=0)
    cnt = jnp.sum(c_ref[...])
    v0 = jnp.concatenate([v4[0:1], v4[1:2]], axis=1)
    v1 = jnp.concatenate([v4[2:3], v4[3:4]], axis=1)
    b = b_ref[...]
    r = jnp.dot(v0, b[0], preferred_element_type=jnp.float32)
    r = r + jnp.dot(v1, b[1], preferred_element_type=jnp.float32)
    o_ref[...] = r / jnp.maximum(cnt, 1.0)


_combine = pl.pallas_call(
    _combine_body,
    out_shape=jax.ShapeDtypeStruct((1, D), jnp.float32),
)


def kernel(node_id, edge_index, edge_type, rel_index, unseen_index,
           entity_embedding, relation_embedding, att, basis):
    e = edge_type.shape[0]
    uns0 = jnp.full((L,), unseen_index, dtype=jnp.int32)
    att0 = att.reshape(-1)
    if e % 12800 == 0:
        nsb2 = -(-e // (NW * GPB2 * L))
        nsb2 += nsb2 % 2
        part, cnt = _build_sc_raw(e, nsb2)(
            edge_index, edge_type, rel_index, uns0, att0,
            node_id, entity_embedding, relation_embedding)
        out = _combine(part.reshape(D, D), cnt.reshape(4, D), basis)
        return out[0]
    spb = GPB * L
    nsb = -(-e // (NW * spb))
    e_pad = NW * nsb * spb
    pe = e_pad - e
    if pe == 0:
        src = edge_index.reshape(-1)
        typ = edge_type
        rel = rel_index
        sym = False
    else:
        srcp = jnp.pad(edge_index[0], (0, pe))
        dstp = jnp.pad(edge_index[1], (0, pe), constant_values=-1)
        src = jnp.concatenate([srcp, dstp])
        typ = jnp.pad(edge_type, (0, pe))
        rel = jnp.pad(rel_index, (0, pe))
        sym = False
    part, cnt = _build_sc(e_pad, nsb, sym)(
        src, typ, rel, uns0, att0,
        node_id, entity_embedding, relation_embedding)
    out = _combine(part.reshape(D, D), cnt.reshape(4, D), basis)
    return out[0]

# --- scband reference (transcript-rebuilt; emitter-appended) ---
"""Pipeline reference for scband-induc-gen-70540542870036 (READ-ONLY COPY).

The authoritative reference and input builder live on the scoring server;
editing this copy changes nothing except your own understanding.
"""

import jax, jax.numpy as jnp
import numpy as np

ENT_DIM = 128
REL_DIM = 128
NUM_ENT = 100000
NUM_REL = 200
NUM_BASES = 2
T = 160000
IN_CH = ENT_DIM + REL_DIM
OUT_CH = ENT_DIM


def setup_inputs(seed: int = 0) -> dict:
    rng = np.random.default_rng(0)
    src = rng.integers(0, NUM_ENT, size=T)
    dst = rng.integers(0, NUM_ENT, size=T)
    rel = rng.integers(0, NUM_REL, size=T)
    unseen_entity = int(src[0])
    # forward()'s numpy preprocessing (np.unique / relabel / edge doubling)
    uniq_v, edges = np.unique(np.stack([src, dst]), return_inverse=True)
    src2, dst2 = np.reshape(edges, (2, -1))
    unseen_index = int(np.where(uniq_v == unseen_entity)[0][0])
    rel_index = np.concatenate([rel, rel])
    src_all = np.concatenate([src2, dst2])
    dst_all = np.concatenate([dst2, src2])
    edge_type = np.concatenate([rel, rel + NUM_REL])

    key = jax.random.key(seed)
    k1, k2, k3, k4 = jax.random.split(key, 4)
    entity_embedding = jax.random.normal(k1, (NUM_ENT, ENT_DIM), dtype=jnp.float32) * 0.02
    relation_embedding = jax.random.normal(k2, (NUM_REL, REL_DIM), dtype=jnp.float32) * 0.02
    basis = jax.random.normal(k3, (NUM_BASES, IN_CH, OUT_CH), dtype=jnp.float32) * (1.0 / np.sqrt(IN_CH))
    att = jax.random.normal(k4, (2 * NUM_REL, NUM_BASES), dtype=jnp.float32) * 0.1

    return {
        "node_id": jnp.asarray(uniq_v, dtype=jnp.int32),
        "edge_index": jnp.asarray(np.stack([src_all, dst_all]), dtype=jnp.int32),
        "edge_type": jnp.asarray(edge_type, dtype=jnp.int32),
        "rel_index": jnp.asarray(rel_index, dtype=jnp.int32),
        "unseen_index": jnp.asarray(unseen_index, dtype=jnp.int32),
        "entity_embedding": entity_embedding,
        "relation_embedding": relation_embedding,
        "att": att,
        "basis": basis,
    }


def reference(node_id, edge_index, edge_type, rel_index, unseen_index,
              entity_embedding, relation_embedding, att, basis):
    # x = self.entity_embedding(node_id)
    x = jnp.take(entity_embedding, node_id, axis=0)
    # rel_emb = self.relation_embedding[rel_index]
    rel_emb = jnp.take(relation_embedding, rel_index, axis=0)
    src = edge_index[0]
    dst = edge_index[1]
    # GENConv (RGCN-style basis decomposition, root_weight=False, bias=False, mean aggr)
    m_in = jnp.concatenate([jnp.take(x, src, axis=0), rel_emb], axis=1)  # [E, IN_CH]
    # basis messages then combine with per-relation attention coefficients
    msgs_b = jnp.einsum('ei,bio->ebo', m_in, basis)           # [E, B, OUT]
    coef = jnp.take(att, edge_type, axis=0)                   # [E, B]
    msg = jnp.einsum('eb,ebo->eo', coef, msgs_b)              # [E, OUT]
    n = node_id.shape[0]
    agg = jax.ops.segment_sum(msg, dst, num_segments=n)
    cnt = jax.ops.segment_sum(jnp.ones((msg.shape[0],), dtype=msg.dtype), dst, num_segments=n)
    embeddings = agg / jnp.clip(cnt, 1.0)[:, None]
    # unseen_entity_embedding = embeddings[unseen_index]; dropout is identity in eval
    unseen_entity_embedding = embeddings[unseen_index]
    return unseen_entity_embedding

if __name__ == "__main__":
    import jax
    _d = setup_inputs()
    print(jax.jit(kernel)(*tuple(_d.values())))

</pallas_src>

<mosaic_0001>
#map = affine_map<(d0, d1) -> (0, 0)>
#map1 = affine_map<(d0, d1) -> (0)>
module attributes {stable_mosaic.version = 14 : i64} {
  func.func @body(%arg0: i32, %arg1: i32, %arg2: memref<2x320000xi32, #tpu.memory_space<hbm>>, %arg3: memref<320000xi32, #tpu.memory_space<hbm>>, %arg4: memref<320000xi32, #tpu.memory_space<hbm>>, %arg5: memref<16xi32, #tpu.memory_space<hbm>>, %arg6: memref<800xf32, #tpu.memory_space<hbm>>, %arg7: memref<95890xi32, #tpu.memory_space<hbm>>, %arg8: memref<100000x128xf32, #tpu.memory_space<hbm>>, %arg9: memref<200x128xf32, #tpu.memory_space<hbm>>, %arg10: memref<16384xf32, #tpu.memory_space<hbm>>, %arg11: memref<512xf32, #tpu.memory_space<hbm>>, %arg12: memref<2x10240xi32, #tpu.memory_space<vmem>>, %arg13: memref<800xf32, #tpu.memory_space<vmem>>, %arg14: memref<16xi32, #tpu.memory_space<vmem>>, %arg15: memref<16xi32, #tpu.memory_space<vmem>>, %arg16: memref<16xi32, #tpu.memory_space<vmem>>, %arg17: memref<16xi32, #tpu.memory_space<vmem>>, %arg18: memref<16xi32, #tpu.memory_space<vmem>>, %arg19: memref<16xi32, #tpu.memory_space<vmem>>, %arg20: memref<16x128xf32, #tpu.memory_space<vmem>>, %arg21: memref<16x128xf32, #tpu.memory_space<vmem>>, %arg22: memref<512xf32, #tpu.memory_space<vmem>>, %arg23: memref<16xf32, #tpu.memory_space<vmem>>, %arg24: memref<!tpu.dma_semaphore, #tpu.memory_space<semaphore_mem>>, %arg25: memref<!tpu.dma_semaphore, #tpu.memory_space<semaphore_mem>>, %arg26: memref<!tpu.dma_semaphore, #tpu.memory_space<semaphore_mem>>, %arg27: memref<!tpu.dma_semaphore, #tpu.memory_space<semaphore_mem>>, %arg28: memref<!tpu.dma_semaphore, #tpu.memory_space<semaphore_mem>>, %arg29: memref<!tpu.dma_semaphore, #tpu.memory_space<semaphore_mem>>, %arg30: memref<!tpu.dma_semaphore, #tpu.memory_space<semaphore_mem>>) attributes {dimension_semantics = [#tpu.dimension_semantics<core_parallel>, #tpu.dimension_semantics<subcore_parallel>], iteration_bounds = array<i64: 2, 16>, scalar_prefetch = 0 : i64, scratch_operands = 19 : i64, tpu.core_type = #tpu.core_type<sc_vector_subcore>, window_params = [{transform_indices = #map}, {transform_indices = #map1}, {transform_indices = #map1}, {transform_indices = #map1}, {transform_indices = #map1}, {transform_indices = #map1}, {transform_indices = #map}, {transform_indices = #map}, {transform_indices = #map1}, {transform_indices = #map1}]} {
    %mul3A = arith.constant 2 : i32
    %mul3A_0 = arith.muli %arg1, %mul3A : i32
    %add3A = arith.addi %mul3A_0, %arg0 : i32
    %mul3A_1 = arith.constant 10240 : i32
    %mul3A_2 = arith.muli %add3A, %mul3A_1 : i32
    %min3A = arith.constant 309760 : i32
    %min3A_3 = arith.minsi %mul3A_2, %min3A : i32
    %dma_start3A = arith.constant 0 : i32
    %dma_start3A_4 = arith.constant 0 : i32
    %dma_start3A_5 = tpu.memref_slice %arg12[%dma_start3A, %dma_start3A_4] : memref<2x10240xi32, #tpu.memory_space<vmem>> -> memref<2x5120xi32, #tpu.memory_space<vmem>>
    %dma_start3A_6 = arith.constant 0 : i32
    %dma_start3A_7 = tpu.memref_slice %arg2[%dma_start3A_6, %min3A_3] : memref<2x320000xi32, #tpu.memory_space<hbm>> -> memref<2x5120xi32, #tpu.memory_space<hbm>>
    %dma_start3A_8 = arith.constant 0 : i32
    %dma_start3A_9 = arith.constant 0 : i32
    %dma_start3A_10 = tpu.memref_slice %arg12[%dma_start3A_8, %dma_start3A_9] : memref<2x10240xi32, #tpu.memory_space<vmem>> -> memref<2x5120xi32, #tpu.memory_space<vmem>>
    %dma_start3A_11 = arith.constant 0 : i32
    %dma_start3A_12 = tpu.memref_slice %arg2[%dma_start3A_11, %min3A_3] : memref<2x320000xi32, #tpu.memory_space<hbm>> -> memref<2x5120xi32, #tpu.memory_space<hbm>>
    tpu.enqueue_dma source(%dma_start3A_12 : memref<2x5120xi32, #tpu.memory_space<hbm>>) target(%dma_start3A_10 : memref<2x5120xi32, #tpu.memory_space<vmem>>) target_semaphore(%arg24 : memref<!tpu.dma_semaphore, #tpu.memory_space<semaphore_mem>>)
    %add3A_13 = arith.constant 5120 : i32
    %add3A_14 = arith.addi %min3A_3, %add3A_13 : i32
    %dma_start3A_15 = arith.constant 0 : i32
    %dma_start3A_16 = arith.constant 5120 : i32
    %dma_start3A_17 = tpu.memref_slice %arg12[%dma_start3A_15, %dma_start3A_16] : memref<2x10240xi32, #tpu.memory_space<vmem>> -> memref<2x5120xi32, #tpu.memory_space<vmem>>
    %dma_start3A_18 = arith.constant 0 : i32
    %dma_start3A_19 = tpu.memref_slice %arg2[%dma_start3A_18, %add3A_14] : memref<2x320000xi32, #tpu.memory_space<hbm>> -> memref<2x5120xi32, #tpu.memory_space<hbm>>
    %dma_start3A_20 = arith.constant 0 : i32
    %dma_start3A_21 = arith.constant 5120 : i32
    %dma_start3A_22 = tpu.memref_slice %arg12[%dma_start3A_20, %dma_start3A_21] : memref<2x10240xi32, #tpu.memory_space<vmem>> -> memref<2x5120xi32, #tpu.memory_space<vmem>>
    %dma_start3A_23 = arith.constant 0 : i32
    %dma_start3A_24 = tpu.memref_slice %arg2[%dma_start3A_23, %add3A_14] : memref<2x320000xi32, #tpu.memory_space<hbm>> -> memref<2x5120xi32, #tpu.memory_space<hbm>>
    tpu.enqueue_dma source(%dma_start3A_24 : memref<2x5120xi32, #tpu.memory_space<hbm>>) target(%dma_start3A_22 : memref<2x5120xi32, #tpu.memory_space<vmem>>) target_semaphore(%arg30 : memref<!tpu.dma_semaphore, #tpu.memory_space<semaphore_mem>>)
    "tpu.region"() ({
      %run_scoped3A = tpu.sem_alloc : memref<!tpu.dma_semaphore, #tpu.memory_space<semaphore_mem>>
      tpu.enqueue_dma source(%arg6 : memref<800xf32, #tpu.memory_space<hbm>>) target(%arg13 : memref<800xf32, #tpu.memory_space<vmem>>) target_semaphore(%run_scoped3A : memref<!tpu.dma_semaphore, #tpu.memory_space<semaphore_mem>>)
      tpu.wait_dma2 semaphore(%run_scoped3A : memref<!tpu.dma_semaphore, #tpu.memory_space<semaphore_mem>>) src(%arg6 : memref<800xf32, #tpu.memory_space<hbm>>) dst(%arg13 : memref<800xf32, #tpu.memory_space<vmem>>)
      tpu.yield
    }) : () -> ()
    "tpu.region"() ({
      %run_scoped3A = tpu.sem_alloc : memref<!tpu.dma_semaphore, #tpu.memory_space<semaphore_mem>>
      tpu.enqueue_dma source(%arg5 : memref<16xi32, #tpu.memory_space<hbm>>) target(%arg14 : memref<16xi32, #tpu.memory_space<vmem>>) target_semaphore(%run_scoped3A : memref<!tpu.dma_semaphore, #tpu.memory_space<semaphore_mem>>)
      tpu.wait_dma2 semaphore(%run_scoped3A : memref<!tpu.dma_semaphore, #tpu.memory_space<semaphore_mem>>) src(%arg5 : memref<16xi32, #tpu.memory_space<hbm>>) dst(%arg14 : memref<16xi32, #tpu.memory_space<vmem>>)
      tpu.yield
    }) : () -> ()
    %broadcast_in_dim3A = arith.constant 0.000000e+00 : f32
    %broadcast_in_dim3A_25 = vector.broadcast %broadcast_in_dim3A : f32 to vector<16xf32>
    %swap3A = arith.constant 0 : index
    %swap3A_26 = tpu.vector_load %arg22[%swap3A] {strides = array<i32>} : memref<512xf32, #tpu.memory_space<vmem>>, vector<16xf32>,
    tpu.vector_store %arg22[%swap3A], %broadcast_in_dim3A_25 {strides = array<i32>} : memref<512xf32, #tpu.memory_space<vmem>>, vector<16xf32>,
    %swap3A_27 = arith.constant 16 : index
    %swap3A_28 = tpu.vector_load %arg22[%swap3A_27] {strides = array<i32>} : memref<512xf32, #tpu.memory_space<vmem>>, vector<16xf32>,
    tpu.vector_store %arg22[%swap3A_27], %broadcast_in_dim3A_25 {strides = array<i32>} : memref<512xf32, #tpu.memory_space<vmem>>, vector<16xf32>,
    %swap3A_29 = arith.constant 32 : index
    %swap3A_30 = tpu.vector_load %arg22[%swap3A_29] {strides = array<i32>} : memref<512xf32, #tpu.memory_space<vmem>>, vector<16xf32>,
    tpu.vector_store %arg22[%swap3A_29], %broadcast_in_dim3A_25 {strides = array<i32>} : memref<512xf32, #tpu.memory_space<vmem>>, vector<16xf32>,
    %swap3A_31 = arith.constant 48 : index
    %swap3A_32 = tpu.vector_load %arg22[%swap3A_31] {strides = array<i32>} : memref<512xf32, #tpu.memory_space<vmem>>, vector<16xf32>,
    tpu.vector_store %arg22[%swap3A_31], %broadcast_in_dim3A_25 {strides = array<i32>} : memref<512xf32, #tpu.memory_space<vmem>>, vector<16xf32>,
    %swap3A_33 = arith.constant 64 : index
    %swap3A_34 = tpu.vector_load %arg22[%swap3A_33] {strides = array<i32>} : memref<512xf32, #tpu.memory_space<vmem>>, vector<16xf32>,
    tpu.vector_store %arg22[%swap3A_33], %broadcast_in_dim3A_25 {strides = array<i32>} : memref<512xf32, #tpu.memory_space<vmem>>, vector<16xf32>,
    %swap3A_35 = arith.constant 80 : index
    %swap3A_36 = tpu.vector_load %arg22[%swap3A_35] {strides = array<i32>} : memref<512xf32, #tpu.memory_space<vmem>>, vector<16xf32>,
    tpu.vector_store %arg22[%swap3A_35], %broadcast_in_dim3A_25 {strides = array<i32>} : memref<512xf32, #tpu.memory_space<vmem>>, vector<16xf32>,
    %swap3A_37 = arith.constant 96 : index
    %swap3A_38 = tpu.vector_load %arg22[%swap3A_37] {strides = array<i32>} : memref<512xf32, #tpu.memory_space<vmem>>, vector<16xf32>,
    tpu.vector_store %arg22[%swap3A_37], %broadcast_in_dim3A_25 {strides = array<i32>} : memref<512xf32, #tpu.memory_space<vmem>>, vector<16xf32>,
    %swap3A_39 = arith.constant 112 : index
    %swap3A_40 = tpu.vector_load %arg22[%swap3A_39] {strides = array<i32>} : memref<512xf32, #tpu.memory_space<vmem>>, vector<16xf32>,
    tpu.vector_store %arg22[%swap3A_39], %broadcast_in_dim3A_25 {strides = array<i32>} : memref<512xf32, #tpu.memory_space<vmem>>, vector<16xf32>,
    %swap3A_41 = arith.constant 128 : index
    %swap3A_42 = tpu.vector_load %arg22[%swap3A_41] {strides = array<i32>} : memref<512xf32, #tpu.memory_space<vmem>>, vector<16xf32>,
    tpu.vector_store %arg22[%swap3A_41], %broadcast_in_dim3A_25 {strides = array<i32>} : memref<512xf32, #tpu.memory_space<vmem>>, vector<16xf32>,
    %swap3A_43 = arith.constant 144 : index
    %swap3A_44 = tpu.vector_load %arg22[%swap3A_43] {strides = array<i32>} : memref<512xf32, #tpu.memory_space<vmem>>, vector<16xf32>,
    tpu.vector_store %arg22[%swap3A_43], %broadcast_in_dim3A_25 {strides = array<i32>} : memref<512xf32, #tpu.memory_space<vmem>>, vector<16xf32>,
    %swap3A_45 = arith.constant 160 : index
    %swap3A_46 = tpu.vector_load %arg22[%swap3A_45] {strides = array<i32>} : memref<512xf32, #tpu.memory_space<vmem>>, vector<16xf32>,
    tpu.vector_store %arg22[%swap3A_45], %broadcast_in_dim3A_25 {strides = array<i32>} : memref<512xf32, #tpu.memory_space<vmem>>, vector<16xf32>,
    %swap3A_47 = arith.constant 176 : index
    %swap3A_48 = tpu.vector_load %arg22[%swap3A_47] {strides = array<i32>} : memref<512xf32, #tpu.memory_space<vmem>>, vector<16xf32>,
    tpu.vector_store %arg22[%swap3A_47], %broadcast_in_dim3A_25 {strides = array<i32>} : memref<512xf32, #tpu.memory_space<vmem>>, vector<16xf32>,
    %swap3A_49 = arith.constant 192 : index
    %swap3A_50 = tpu.vector_load %arg22[%swap3A_49] {strides = array<i32>} : memref<512xf32, #tpu.memory_space<vmem>>, vector<16xf32>,
    tpu.vector_store %arg22[%swap3A_49], %broadcast_in_dim3A_25 {strides = array<i32>} : memref<512xf32, #tpu.memory_space<vmem>>, vector<16xf32>,
    %swap3A_51 = arith.constant 208 : index
    %swap3A_52 = tpu.vector_load %arg22[%swap3A_51] {strides = array<i32>} : memref<512xf32, #tpu.memory_space<vmem>>, vector<16xf32>,
    tpu.vector_store %arg22[%swap3A_51], %broadcast_in_dim3A_25 {strides = array<i32>} : memref<512xf32, #tpu.memory_space<vmem>>, vector<16xf32>,
    %swap3A_53 = arith.constant 224 : index
    %swap3A_54 = tpu.vector_load %arg22[%swap3A_53] {strides = array<i32>} : memref<512xf32, #tpu.memory_space<vmem>>, vector<16xf32>,
    tpu.vector_store %arg22[%swap3A_53], %broadcast_in_dim3A_25 {strides = array<i32>} : memref<512xf32, #tpu.memory_space<vmem>>, vector<16xf32>,
    %swap3A_55 = arith.constant 240 : index
    %swap3A_56 = tpu.vector_load %arg22[%swap3A_55] {strides = array<i32>} : memref<512xf32, #tpu.memory_space<vmem>>, vector<16xf32>,
    tpu.vector_store %arg22[%swap3A_55], %broadcast_in_dim3A_25 {strides = array<i32>} : memref<512xf32, #tpu.memory_space<vmem>>, vector<16xf32>,
    %swap3A_57 = arith.constant 256 : index
    %swap3A_58 = tpu.vector_load %arg22[%swap3A_57] {strides = array<i32>} : memref<512xf32, #tpu.memory_space<vmem>>, vector<16xf32>,
    tpu.vector_store %arg22[%swap3A_57], %broadcast_in_dim3A_25 {strides = array<i32>} : memref<512xf32, #tpu.memory_space<vmem>>, vector<16xf32>,
    %swap3A_59 = arith.constant 272 : index
    %swap3A_60 = tpu.vector_load %arg22[%swap3A_59] {strides = array<i32>} : memref<512xf32, #tpu.memory_space<vmem>>, vector<16xf32>,
    tpu.vector_store %arg22[%swap3A_59], %broadcast_in_dim3A_25 {strides = array<i32>} : memref<512xf32, #tpu.memory_space<vmem>>, vector<16xf32>,
    %swap3A_61 = arith.constant 288 : index
    %swap3A_62 = tpu.vector_load %arg22[%swap3A_61] {strides = array<i32>} : memref<512xf32, #tpu.memory_space<vmem>>, vector<16xf32>,
    tpu.vector_store %arg22[%swap3A_61], %broadcast_in_dim3A_25 {strides = array<i32>} : memref<512xf32, #tpu.memory_space<vmem>>, vector<16xf32>,
    %swap3A_63 = arith.constant 304 : index
    %swap3A_64 = tpu.vector_load %arg22[%swap3A_63] {strides = array<i32>} : memref<512xf32, #tpu.memory_space<vmem>>, vector<16xf32>,
    tpu.vector_store %arg22[%swap3A_63], %broadcast_in_dim3A_25 {strides = array<i32>} : memref<512xf32, #tpu.memory_space<vmem>>, vector<16xf32>,
    %swap3A_65 = arith.constant 320 : index
    %swap3A_66 = tpu.vector_load %arg22[%swap3A_65] {strides = array<i32>} : memref<512xf32, #tpu.memory_space<vmem>>, vector<16xf32>,
    tpu.vector_store %arg22[%swap3A_65], %broadcast_in_dim3A_25 {strides = array<i32>} : memref<512xf32, #tpu.memory_space<vmem>>, vector<16xf32>,
    %swap3A_67 = arith.constant 336 : index
    %swap3A_68 = tpu.vector_load %arg22[%swap3A_67] {strides = array<i32>} : memref<512xf32, #tpu.memory_space<vmem>>, vector<16xf32>,
    tpu.vector_store %arg22[%swap3A_67], %broadcast_in_dim3A_25 {strides = array<i32>} : memref<512xf32, #tpu.memory_space<vmem>>, vector<16xf32>,
    %swap3A_69 = arith.constant 352 : index
    %swap3A_70 = tpu.vector_load %arg22[%swap3A_69] {strides = array<i32>} : memref<512xf32, #tpu.memory_space<vmem>>, vector<16xf32>,
    tpu.vector_store %arg22[%swap3A_69], %broadcast_in_dim3A_25 {strides = array<i32>} : memref<512xf32, #tpu.memory_space<vmem>>, vector<16xf32>,
    %swap3A_71 = arith.constant 368 : index
    %swap3A_72 = tpu.vector_load %arg22[%swap3A_71] {strides = array<i32>} : memref<512xf32, #tpu.memory_space<vmem>>, vector<16xf32>,
    tpu.vector_store %arg22[%swap3A_71], %broadcast_in_dim3A_25 {strides = array<i32>} : memref<512xf32, #tpu.memory_space<vmem>>, vector<16xf32>,
    %swap3A_73 = arith.constant 384 : index
    %swap3A_74 = tpu.vector_load %arg22[%swap3A_73] {strides = array<i32>} : memref<512xf32, #tpu.memory_space<vmem>>, vector<16xf32>,
    tpu.vector_store %arg22[%swap3A_73], %broadcast_in_dim3A_25 {strides = array<i32>} : memref<512xf32, #tpu.memory_space<vmem>>, vector<16xf32>,
    %swap3A_75 = arith.constant 400 : index
    %swap3A_76 = tpu.vector_load %arg22[%swap3A_75] {strides = array<i32>} : memref<512xf32, #tpu.memory_space<vmem>>, vector<16xf32>,
    tpu.vector_store %arg22[%swap3A_75], %broadcast_in_dim3A_25 {strides = array<i32>} : memref<512xf32, #tpu.memory_space<vmem>>, vector<16xf32>,
    %swap3A_77 = arith.constant 416 : index
    %swap3A_78 = tpu.vector_load %arg22[%swap3A_77] {strides = array<i32>} : memref<512xf32, #tpu.memory_space<vmem>>, vector<16xf32>,
    tpu.vector_store %arg22[%swap3A_77], %broadcast_in_dim3A_25 {strides = array<i32>} : memref<512xf32, #tpu.memory_space<vmem>>, vector<16xf32>,
    %swap3A_79 = arith.constant 432 : index
    %swap3A_80 = tpu.vector_load %arg22[%swap3A_79] {strides = array<i32>} : memref<512xf32, #tpu.memory_space<vmem>>, vector<16xf32>,
    tpu.vector_store %arg22[%swap3A_79], %broadcast_in_dim3A_25 {strides = array<i32>} : memref<512xf32, #tpu.memory_space<vmem>>, vector<16xf32>,
    %swap3A_81 = arith.constant 448 : index
    %swap3A_82 = tpu.vector_load %arg22[%swap3A_81] {strides = array<i32>} : memref<512xf32, #tpu.memory_space<vmem>>, vector<16xf32>,
    tpu.vector_store %arg22[%swap3A_81], %broadcast_in_dim3A_25 {strides = array<i32>} : memref<512xf32, #tpu.memory_space<vmem>>, vector<16xf32>,
    %swap3A_83 = arith.constant 464 : index
    %swap3A_84 = tpu.vector_load %arg22[%swap3A_83] {strides = array<i32>} : memref<512xf32, #tpu.memory_space<vmem>>, vector<16xf32>,
    tpu.vector_store %arg22[%swap3A_83], %broadcast_in_dim3A_25 {strides = array<i32>} : memref<512xf32, #tpu.memory_space<vmem>>, vector<16xf32>,
    %swap3A_85 = arith.constant 480 : index
    %swap3A_86 = tpu.vector_load %arg22[%swap3A_85] {strides = array<i32>} : memref<512xf32, #tpu.memory_space<vmem>>, vector<16xf32>,
    tpu.vector_store %arg22[%swap3A_85], %broadcast_in_dim3A_25 {strides = array<i32>} : memref<512xf32, #tpu.memory_space<vmem>>, vector<16xf32>,
    %swap3A_87 = arith.constant 496 : index
    %swap3A_88 = tpu.vector_load %arg22[%swap3A_87] {strides = array<i32>} : memref<512xf32, #tpu.memory_space<vmem>>, vector<16xf32>,
    tpu.vector_store %arg22[%swap3A_87], %broadcast_in_dim3A_25 {strides = array<i32>} : memref<512xf32, #tpu.memory_space<vmem>>, vector<16xf32>,
    %swap3A_89 = arith.constant 0 : index
    %swap3A_90 = tpu.vector_load %arg23[%swap3A_89] {strides = array<i32>} : memref<16xf32, #tpu.memory_space<vmem>>, vector<16xf32>,
    tpu.vector_store %arg23[%swap3A_89], %broadcast_in_dim3A_25 {strides = array<i32>} : memref<16xf32, #tpu.memory_space<vmem>>, vector<16xf32>,
    %get3A = arith.constant 0 : index
    %get3A_91 = tpu.vector_load %arg14[%get3A] {strides = array<i32>} : memref<16xi32, #tpu.memory_space<vmem>>, vector<16xi32>,
    %iota3A = tpu.iota {dimensions = array<i32: 0>} : vector<16xi32>
    %dma_wait3A = arith.constant 0 : i32
    %dma_wait3A_92 = arith.constant 0 : i32
    %dma_wait3A_93 = tpu.memref_slice %arg12[%dma_wait3A, %dma_wait3A_92] : memref<2x10240xi32, #tpu.memory_space<vmem>> -> memref<2x5120xi32, #tpu.memory_space<vmem>>
    %dma_wait3A_94 = arith.constant 0 : i32
    %dma_wait3A_95 = tpu.memref_slice %arg2[%dma_wait3A_94, %min3A_3] : memref<2x320000xi32, #tpu.memory_space<hbm>> -> memref<2x5120xi32, #tpu.memory_space<hbm>>
    %dma_wait3A_96 = arith.constant 0 : i32
    %dma_wait3A_97 = arith.constant 0 : i32
    %dma_wait3A_98 = tpu.memref_slice %arg12[%dma_wait3A_96, %dma_wait3A_97] : memref<2x10240xi32, #tpu.memory_space<vmem>> -> memref<2x5120xi32, #tpu.memory_space<vmem>>
    %dma_wait3A_99 = arith.constant 0 : i32
    %dma_wait3A_100 = tpu.memref_slice %arg2[%dma_wait3A_99, %min3A_3] : memref<2x320000xi32, #tpu.memory_space<hbm>> -> memref<2x5120xi32, #tpu.memory_space<hbm>>
    tpu.wait_dma2 semaphore(%arg24 : memref<!tpu.dma_semaphore, #tpu.memory_space<semaphore_mem>>) src(%dma_wait3A_100 : memref<2x5120xi32, #tpu.memory_space<hbm>>) dst(%dma_wait3A_98 : memref<2x5120xi32, #tpu.memory_space<vmem>>)
    %scan3A = arith.constant 0 : i32
    %scan3A_101 = arith.constant 0 : i32
    %scan3A_102 = arith.constant 8 : i32
    %scan3A_103 = arith.addi %scan3A_101, %scan3A_102 : i32
    %scan3A_104 = arith.constant 1 : i32
    scf.for %scan3A_126 = %scan3A_101 to %scan3A_103 step %scan3A_104  : i32 {
      %mul3A_127 = arith.constant 40 : i32
      %mul3A_128 = arith.muli %scan3A_126, %mul3A_127 : i32
      %broadcast_in_dim3A_129 = arith.constant 0 : i32
      %broadcast_in_dim3A_130 = vector.broadcast %broadcast_in_dim3A_129 : i32 to vector<16xi32>
      %scan3A_131 = arith.constant 0 : i32
      %scan3A_132 = arith.constant 5 : i32
      %scan3A_133 = arith.addi %scan3A_131, %scan3A_132 : i32
      %scan3A_134 = arith.constant 1 : i32
      %scan3A_135 = scf.for %scan3A_146 = %scan3A_131 to %scan3A_133 step %scan3A_134 iter_args(%scan3A_147 = %broadcast_in_dim3A_130) -> (vector<16xi32>)  : i32 {
        %mul3A_148 = arith.constant 8 : i32
        %mul3A_149 = arith.muli %scan3A_146, %mul3A_148 : i32
        %add3A_150 = arith.addi %mul3A_128, %mul3A_149 : i32
        %mul3A_151 = arith.constant 16 : i32
        %mul3A_152 = arith.muli %add3A_150, %mul3A_151 : i32
        %add3A_153 = arith.constant 0 : i32
        %add3A_154 = arith.addi %mul3A_152, %add3A_153 : i32
        %get3A_155 = arith.constant 1 : i32
        %get3A_156 = arith.index_cast %get3A_155 : i32 to index
        %get3A_157 = arith.index_cast %add3A_154 : i32 to index
        %get3A_158 = tpu.vector_load %arg12[%get3A_156, %get3A_157] {strides = array<i32>} : memref<2x10240xi32, #tpu.memory_space<vmem>>, vector<16xi32>,
        %eq3A = arith.cmpi eq, %get3A_158, %get3A_91 : vector<16xi32>
        %convert_element_type3A_159 = arith.extui %eq3A : vector<16xi1> to vector<16xi32>
        %or3A = arith.ori %scan3A_147, %convert_element_type3A_159 : vector<16xi32>
        %add3A_160 = arith.constant 16 : i32
        %add3A_161 = arith.addi %mul3A_152, %add3A_160 : i32
        %get3A_162 = arith.constant 1 : i32
        %get3A_163 = arith.index_cast %get3A_162 : i32 to index
        %get3A_164 = arith.index_cast %add3A_161 : i32 to index
        %get3A_165 = tpu.vector_load %arg12[%get3A_163, %get3A_164] {strides = array<i32>} : memref<2x10240xi32, #tpu.memory_space<vmem>>, vector<16xi32>,
        %eq3A_166 = arith.cmpi eq, %get3A_165, %get3A_91 : vector<16xi32>
        %convert_element_type3A_167 = arith.extui %eq3A_166 : vector<16xi1> to vector<16xi32>
        %or3A_168 = arith.ori %or3A, %convert_element_type3A_167 : vector<16xi32>
        %add3A_169 = arith.constant 32 : i32
        %add3A_170 = arith.addi %mul3A_152, %add3A_169 : i32
        %get3A_171 = arith.constant 1 : i32
        %get3A_172 = arith.index_cast %get3A_171 : i32 to index
        %get3A_173 = arith.index_cast %add3A_170 : i32 to index
        %get3A_174 = tpu.vector_load %arg12[%get3A_172, %get3A_173] {strides = array<i32>} : memref<2x10240xi32, #tpu.memory_space<vmem>>, vector<16xi32>,
        %eq3A_175 = arith.cmpi eq, %get3A_174, %get3A_91 : vector<16xi32>
        %convert_element_type3A_176 = arith.extui %eq3A_175 : vector<16xi1> to vector<16xi32>
        %or3A_177 = arith.ori %or3A_168, %convert_element_type3A_176 : vector<16xi32>
        %add3A_178 = arith.constant 48 : i32
        %add3A_179 = arith.addi %mul3A_152, %add3A_178 : i32
        %get3A_180 = arith.constant 1 : i32
        %get3A_181 = arith.index_cast %get3A_180 : i32 to index
        %get3A_182 = arith.index_cast %add3A_179 : i32 to index
        %get3A_183 = tpu.vector_load %arg12[%get3A_181, %get3A_182] {strides = array<i32>} : memref<2x10240xi32, #tpu.memory_space<vmem>>, vector<16xi32>,
        %eq3A_184 = arith.cmpi eq, %get3A_183, %get3A_91 : vector<16xi32>
        %convert_element_type3A_185 = arith.extui %eq3A_184 : vector<16xi1> to vector<16xi32>
        %or3A_186 = arith.ori %or3A_177, %convert_element_type3A_185 : vector<16xi32>
        %add3A_187 = arith.constant 64 : i32
        %add3A_188 = arith.addi %mul3A_152, %add3A_187 : i32
        %get3A_189 = arith.constant 1 : i32
        %get3A_190 = arith.index_cast %get3A_189 : i32 to index
        %get3A_191 = arith.index_cast %add3A_188 : i32 to index
        %get3A_192 = tpu.vector_load %arg12[%get3A_190, %get3A_191] {strides = array<i32>} : memref<2x10240xi32, #tpu.memory_space<vmem>>, vector<16xi32>,
        %eq3A_193 = arith.cmpi eq, %get3A_192, %get3A_91 : vector<16xi32>
        %convert_element_type3A_194 = arith.extui %eq3A_193 : vector<16xi1> to vector<16xi32>
        %or3A_195 = arith.ori %or3A_186, %convert_element_type3A_194 : vector<16xi32>
        %add3A_196 = arith.constant 80 : i32
        %add3A_197 = arith.addi %mul3A_152, %add3A_196 : i32
        %get3A_198 = arith.constant 1 : i32
        %get3A_199 = arith.index_cast %get3A_198 : i32 to index
        %get3A_200 = arith.index_cast %add3A_197 : i32 to index
        %get3A_201 = tpu.vector_load %arg12[%get3A_199, %get3A_200] {strides = array<i32>} : memref<2x10240xi32, #tpu.memory_space<vmem>>, vector<16xi32>,
        %eq3A_202 = arith.cmpi eq, %get3A_201, %get3A_91 : vector<16xi32>
        %convert_element_type3A_203 = arith.extui %eq3A_202 : vector<16xi1> to vector<16xi32>
        %or3A_204 = arith.ori %or3A_195, %convert_element_type3A_203 : vector<16xi32>
        %add3A_205 = arith.constant 96 : i32
        %add3A_206 = arith.addi %mul3A_152, %add3A_205 : i32
        %get3A_207 = arith.constant 1 : i32
        %get3A_208 = arith.index_cast %get3A_207 : i32 to index
        %get3A_209 = arith.index_cast %add3A_206 : i32 to index
        %get3A_210 = tpu.vector_load %arg12[%get3A_208, %get3A_209] {strides = array<i32>} : memref<2x10240xi32, #tpu.memory_space<vmem>>, vector<16xi32>,
        %eq3A_211 = arith.cmpi eq, %get3A_210, %get3A_91 : vector<16xi32>
        %convert_element_type3A_212 = arith.extui %eq3A_211 : vector<16xi1> to vector<16xi32>
        %or3A_213 = arith.ori %or3A_204, %convert_element_type3A_212 : vector<16xi32>
        %add3A_214 = arith.constant 112 : i32
        %add3A_215 = arith.addi %mul3A_152, %add3A_214 : i32
        %get3A_216 = arith.constant 1 : i32
        %get3A_217 = arith.index_cast %get3A_216 : i32 to index
        %get3A_218 = arith.index_cast %add3A_215 : i32 to index
        %get3A_219 = tpu.vector_load %arg12[%get3A_217, %get3A_218] {strides = array<i32>} : memref<2x10240xi32, #tpu.memory_space<vmem>>, vector<16xi32>,
        %eq3A_220 = arith.cmpi eq, %get3A_219, %get3A_91 : vector<16xi32>
        %convert_element_type3A_221 = arith.extui %eq3A_220 : vector<16xi1> to vector<16xi32>
        %or3A_222 = arith.ori %or3A_213, %convert_element_type3A_221 : vector<16xi32>
        scf.yield %or3A_222 : vector<16xi32>
      }
      %scan3A_136 = arith.constant 5 : i32
      %reduce_max3A = arith.constant true
      %reduce_max3A_137 = vector.broadcast %reduce_max3A : i1 to vector<16xi1>
      %reduce_max3A_138 = arith.constant -2147483648 : i32
      %reduce_max3A_139 = vector.broadcast %reduce_max3A_138 : i32 to vector<16xi32>
      %reduce_max3A_140 = arith.xori %scan3A_135, %reduce_max3A_139 : vector<16xi32>
      %reduce_max3A_141 = tpu.scan <max>, %reduce_max3A_140 masked %reduce_max3A_137 : vector<16xi32>, vector<16xi1> -> vector<16xi32>
      %reduce_max3A_142 = arith.xori %reduce_max3A_141, %reduce_max3A_139 : vector<16xi32>
      %reduce_max3A_143 = vector.extract %reduce_max3A_142[15] : i32 from vector<16xi32>
      %gt3A = arith.constant 0 : i32
      %gt3A_144 = arith.cmpi sgt, %reduce_max3A_143, %gt3A : i32
      %convert_element_type3A = arith.extui %gt3A_144 : i1 to i32
      %cond3A = arith.constant 0 : i32
      %cond3A_145 = arith.cmpi ne, %convert_element_type3A, %cond3A : i32
      scf.if %cond3A_145 {
        %scan3A_146 = arith.constant 0 : i32
        %scan3A_147 = arith.constant 0 : i32
        %scan3A_148 = arith.constant 40 : i32
        %scan3A_149 = arith.addi %scan3A_147, %scan3A_148 : i32
        %scan3A_150 = arith.constant 1 : i32
        scf.for %scan3A_152 = %scan3A_147 to %scan3A_149 step %scan3A_150  : i32 {
          %add3A_153 = arith.addi %mul3A_128, %scan3A_152 : i32
          %mul3A_154 = arith.constant 16 : i32
          %mul3A_155 = arith.muli %add3A_153, %mul3A_154 : i32
          %add3A_156 = arith.addi %min3A_3, %mul3A_155 : i32
          %mul3A_157 = arith.constant 16 : i32
          %mul3A_158 = arith.muli %add3A_153, %mul3A_157 : i32
          %get3A_159 = arith.constant 1 : i32
          %get3A_160 = arith.index_cast %get3A_159 : i32 to index
          %get3A_161 = arith.index_cast %mul3A_158 : i32 to index
          %get3A_162 = tpu.vector_load %arg12[%get3A_160, %get3A_161] {strides = array<i32>} : memref<2x10240xi32, #tpu.memory_space<vmem>>, vector<16xi32>,
          %eq3A = arith.cmpi eq, %get3A_162, %get3A_91 : vector<16xi32>
          %add3A_163 = vector.broadcast %add3A_156 : i32 to vector<16xi32>
          %add3A_164 = arith.addi %add3A_163, %iota3A : vector<16xi32>
          %ge3A = vector.broadcast %mul3A_2 : i32 to vector<16xi32>
          %ge3A_165 = arith.cmpi sge, %add3A_164, %ge3A : vector<16xi32>
          %and3A = arith.andi %eq3A, %ge3A_165 : vector<16xi1>
          %reduce_or3A = arith.constant 1.000000e+00 : f32
          %reduce_or3A_166 = arith.constant 0.000000e+00 : f32
          %reduce_or3A_167 = vector.broadcast %reduce_or3A : f32 to vector<16xf32>
          %reduce_or3A_168 = vector.broadcast %reduce_or3A_166 : f32 to vector<16xf32>
          %reduce_or3A_169 = arith.select %and3A, %reduce_or3A_167, %reduce_or3A_168 : vector<16xi1>, vector<16xf32>
          %reduce_or3A_170 = arith.constant true
          %reduce_or3A_171 = vector.broadcast %reduce_or3A_170 : i1 to vector<16xi1>
          %reduce_or3A_172 = tpu.scan <max>, %reduce_or3A_169 masked %reduce_or3A_171 : vector<16xf32>, vector<16xi1> -> vector<16xf32>
          %reduce_or3A_173 = vector.extract %reduce_or3A_172[15] : f32 from vector<16xf32>
          %reduce_or3A_174 = arith.constant 0.000000e+00 : f32
          %reduce_or3A_175 = arith.cmpf ogt, %reduce_or3A_173, %reduce_or3A_174 : f32
          %convert_element_type3A_176 = arith.extui %reduce_or3A_175 : i1 to i32
          %cond3A_177 = arith.constant 0 : i32
          %cond3A_178 = arith.cmpi ne, %convert_element_type3A_176, %cond3A_177 : i32
          scf.if %cond3A_178 {
            %add3A_179 = vector.broadcast %add3A_156 : i32 to vector<16xi32>
            %add3A_180 = arith.addi %add3A_179, %iota3A : vector<16xi32>
            %swap3A_181 = arith.constant 0 : index
            %swap3A_182 = tpu.vector_load %arg15[%swap3A_181] {strides = array<i32>} : memref<16xi32, #tpu.memory_space<vmem>>, vector<16xi32>,
            tpu.vector_store %arg15[%swap3A_181], %add3A_180 {strides = array<i32>} : memref<16xi32, #tpu.memory_space<vmem>>, vector<16xi32>,
            %dma_start3A_183 = arith.constant 0 : i32
            %dma_start3A_184 = tpu.memref_slice %arg3[%dma_start3A_183] : memref<320000xi32, #tpu.memory_space<hbm>> -> memref<320000xi32, #tpu.memory_space<hbm>>
            tpu.enqueue_indirect_dma source(%dma_start3A_184 : memref<320000xi32, #tpu.memory_space<hbm>>) target(%arg17 : memref<16xi32, #tpu.memory_space<vmem>>) offsets(%arg15 : memref<16xi32, #tpu.memory_space<vmem>>) semaphore(%arg25 : memref<!tpu.dma_semaphore, #tpu.memory_space<semaphore_mem>>)
            %dma_start3A_185 = arith.constant 0 : i32
            %dma_start3A_186 = tpu.memref_slice %arg4[%dma_start3A_185] : memref<320000xi32, #tpu.memory_space<hbm>> -> memref<320000xi32, #tpu.memory_space<hbm>>
            tpu.enqueue_indirect_dma source(%dma_start3A_186 : memref<320000xi32, #tpu.memory_space<hbm>>) target(%arg18 : memref<16xi32, #tpu.memory_space<vmem>>) offsets(%arg15 : memref<16xi32, #tpu.memory_space<vmem>>) semaphore(%arg26 : memref<!tpu.dma_semaphore, #tpu.memory_space<semaphore_mem>>)
            %mul3A_187 = arith.constant 16 : i32
            %mul3A_188 = arith.muli %add3A_153, %mul3A_187 : i32
            %get3A_189 = arith.constant 0 : i32
            %get3A_190 = arith.index_cast %get3A_189 : i32 to index
            %get3A_191 = arith.index_cast %mul3A_188 : i32 to index
            %get3A_192 = tpu.vector_load %arg12[%get3A_190, %get3A_191] {strides = array<i32>} : memref<2x10240xi32, #tpu.memory_space<vmem>>, vector<16xi32>,
            %swap3A_193 = arith.constant 0 : index
            %swap3A_194 = tpu.vector_load %arg16[%swap3A_193] {strides = array<i32>} : memref<16xi32, #tpu.memory_space<vmem>>, vector<16xi32>,
            tpu.vector_store %arg16[%swap3A_193], %get3A_192 {strides = array<i32>} : memref<16xi32, #tpu.memory_space<vmem>>, vector<16xi32>,
            %dma_wait3A_195 = arith.constant 0 : i32
            %dma_wait3A_196 = tpu.memref_slice %arg3[%dma_wait3A_195] : memref<320000xi32, #tpu.memory_space<hbm>> -> memref<320000xi32, #tpu.memory_space<hbm>>
            tpu.wait_indirect_dma semaphore(%arg25 : memref<!tpu.dma_semaphore, #tpu.memory_space<semaphore_mem>>) src(%dma_wait3A_196 : memref<320000xi32, #tpu.memory_space<hbm>>) dst(%arg17 : memref<16xi32, #tpu.memory_space<vmem>>)
            %dma_wait3A_197 = arith.constant 0 : i32
            %dma_wait3A_198 = tpu.memref_slice %arg4[%dma_wait3A_197] : memref<320000xi32, #tpu.memory_space<hbm>> -> memref<320000xi32, #tpu.memory_space<hbm>>
            tpu.wait_indirect_dma semaphore(%arg26 : memref<!tpu.dma_semaphore, #tpu.memory_space<semaphore_mem>>) src(%dma_wait3A_198 : memref<320000xi32, #tpu.memory_space<hbm>>) dst(%arg18 : memref<16xi32, #tpu.memory_space<vmem>>)
            %dma_start3A_199 = arith.constant 0 : i32
            %dma_start3A_200 = tpu.memref_slice %arg7[%dma_start3A_199] : memref<95890xi32, #tpu.memory_space<hbm>> -> memref<95890xi32, #tpu.memory_space<hbm>>
            tpu.enqueue_indirect_dma source(%dma_start3A_200 : memref<95890xi32, #tpu.memory_space<hbm>>) target(%arg19 : memref<16xi32, #tpu.memory_space<vmem>>) offsets(%arg16 : memref<16xi32, #tpu.memory_space<vmem>>) semaphore(%arg27 : memref<!tpu.dma_semaphore, #tpu.memory_space<semaphore_mem>>)
            %dma_start3A_201 = arith.constant 0 : i32
            %dma_start3A_202 = arith.constant 0 : i32
            %dma_start3A_203 = tpu.memref_slice %arg9[%dma_start3A_201, %dma_start3A_202] : memref<200x128xf32, #tpu.memory_space<hbm>> -> memref<200x128xf32, #tpu.memory_space<hbm>>
            tpu.enqueue_indirect_dma source(%dma_start3A_203 : memref<200x128xf32, #tpu.memory_space<hbm>>) target(%arg21 : memref<16x128xf32, #tpu.memory_space<vmem>>) offsets(%arg18 : memref<16xi32, #tpu.memory_space<vmem>>) semaphore(%arg29 : memref<!tpu.dma_semaphore, #tpu.memory_space<semaphore_mem>>)
            %dma_wait3A_204 = arith.constant 0 : i32
            %dma_wait3A_205 = tpu.memref_slice %arg7[%dma_wait3A_204] : memref<95890xi32, #tpu.memory_space<hbm>> -> memref<95890xi32, #tpu.memory_space<hbm>>
            tpu.wait_indirect_dma semaphore(%arg27 : memref<!tpu.dma_semaphore, #tpu.memory_space<semaphore_mem>>) src(%dma_wait3A_205 : memref<95890xi32, #tpu.memory_space<hbm>>) dst(%arg19 : memref<16xi32, #tpu.memory_space<vmem>>)
            %dma_start3A_206 = arith.constant 0 : i32
            %dma_start3A_207 = arith.constant 0 : i32
            %dma_start3A_208 = tpu.memref_slice %arg8[%dma_start3A_206, %dma_start3A_207] : memref<100000x128xf32, #tpu.memory_space<hbm>> -> memref<100000x128xf32, #tpu.memory_space<hbm>>
            tpu.enqueue_indirect_dma source(%dma_start3A_208 : memref<100000x128xf32, #tpu.memory_space<hbm>>) target(%arg20 : memref<16x128xf32, #tpu.memory_space<vmem>>) offsets(%arg19 : memref<16xi32, #tpu.memory_space<vmem>>) semaphore(%arg28 : memref<!tpu.dma_semaphore, #tpu.memory_space<semaphore_mem>>)
            %get3A_209 = arith.constant 0 : index
            %get3A_210 = tpu.vector_load %arg17[%get3A_209] {strides = array<i32>} : memref<16xi32, #tpu.memory_space<vmem>>, vector<16xi32>,
            %jit3A = arith.constant 1.000000e+00 : f32
            %jit3A_211 = arith.constant 0.000000e+00 : f32
            %broadcast_in_dim3A_212 = vector.broadcast %jit3A : f32 to vector<16xf32>
            %broadcast_in_dim3A_213 = vector.broadcast %jit3A_211 : f32 to vector<16xf32>
            %select_n3A = arith.select %and3A, %broadcast_in_dim3A_212, %broadcast_in_dim3A_213 : vector<16xi1>, vector<16xf32>
            %mul3A_214 = arith.constant 2 : i32
            %mul3A_215 = vector.broadcast %mul3A_214 : i32 to vector<16xi32>
            %mul3A_216 = arith.muli %get3A_210, %mul3A_215 : vector<16xi32>
            %gather3A = arith.constant 0 : i32
            %gather3A_217 = tpu.memref_slice %arg13[%gather3A] : memref<800xf32, #tpu.memory_space<vmem>> -> memref<800xf32, #tpu.memory_space<vmem>>
            %gather3A_218 = tpu.vector_load_idx %gather3A_217[%mul3A_216] : memref<800xf32, #tpu.memory_space<vmem>>[vector<16xi32>], vector<16xf32>,
            %mul3A_219 = arith.mulf %gather3A_218, %select_n3A : vector<16xf32>
            %mul3A_220 = arith.constant 2 : i32
            %mul3A_221 = vector.broadcast %mul3A_220 : i32 to vector<16xi32>
            %mul3A_222 = arith.muli %get3A_210, %mul3A_221 : vector<16xi32>
            %add3A_223 = arith.constant 1 : i32
            %add3A_224 = vector.broadcast %add3A_223 : i32 to vector<16xi32>
            %add3A_225 = arith.addi %mul3A_222, %add3A_224 : vector<16xi32>
            %gather3A_226 = arith.constant 0 : i32
            %gather3A_227 = tpu.memref_slice %arg13[%gather3A_226] : memref<800xf32, #tpu.memory_space<vmem>> -> memref<800xf32, #tpu.memory_space<vmem>>
            %gather3A_228 = tpu.vector_load_idx %gather3A_227[%add3A_225] : memref<800xf32, #tpu.memory_space<vmem>>[vector<16xi32>], vector<16xf32>,
            %mul3A_229 = arith.mulf %gather3A_228, %select_n3A : vector<16xf32>
            %get3A_230 = arith.constant 0 : index
            %get3A_231 = tpu.vector_load %arg23[%get3A_230] {strides = array<i32>} : memref<16xf32, #tpu.memory_space<vmem>>, vector<16xf32>,
            %add3A_232 = arith.addf %get3A_231, %select_n3A : vector<16xf32>
            %swap3A_233 = arith.constant 0 : index
            %swap3A_234 = tpu.vector_load %arg23[%swap3A_233] {strides = array<i32>} : memref<16xf32, #tpu.memory_space<vmem>>, vector<16xf32>,
            tpu.vector_store %arg23[%swap3A_233], %add3A_232 {strides = array<i32>} : memref<16xf32, #tpu.memory_space<vmem>>, vector<16xf32>,
            %dma_wait3A_235 = arith.constant 0 : i32
            %dma_wait3A_236 = arith.constant 0 : i32
            %dma_wait3A_237 = tpu.memref_slice %arg9[%dma_wait3A_235, %dma_wait3A_236] : memref<200x128xf32, #tpu.memory_space<hbm>> -> memref<200x128xf32, #tpu.memory_space<hbm>>
            tpu.wait_indirect_dma semaphore(%arg29 : memref<!tpu.dma_semaphore, #tpu.memory_space<semaphore_mem>>) src(%dma_wait3A_237 : memref<200x128xf32, #tpu.memory_space<hbm>>) dst(%arg21 : memref<16x128xf32, #tpu.memory_space<vmem>>)
            %dma_wait3A_238 = arith.constant 0 : i32
            %dma_wait3A_239 = arith.constant 0 : i32
            %dma_wait3A_240 = tpu.memref_slice %arg8[%dma_wait3A_238, %dma_wait3A_239] : memref<100000x128xf32, #tpu.memory_space<hbm>> -> memref<100000x128xf32, #tpu.memory_space<hbm>>
            tpu.wait_indirect_dma semaphore(%arg28 : memref<!tpu.dma_semaphore, #tpu.memory_space<semaphore_mem>>) src(%dma_wait3A_240 : memref<100000x128xf32, #tpu.memory_space<hbm>>) dst(%arg20 : memref<16x128xf32, #tpu.memory_space<vmem>>)
            %scan3A_241 = arith.constant 0 : i32
            %scan3A_242 = arith.constant 0 : i32
            %scan3A_243 = arith.constant 16 : i32
            %scan3A_244 = arith.addi %scan3A_242, %scan3A_243 : i32
            %scan3A_245 = arith.constant 1 : i32
            scf.for %scan3A_247 = %scan3A_242 to %scan3A_244 step %scan3A_245  : i32 {
              %broadcast_in_dim3A_248 = vector.broadcast %scan3A_247 : i32 to vector<16xi32>
              %lt3A = arith.constant 0 : i32
              %lt3A_249 = vector.broadcast %lt3A : i32 to vector<16xi32>
              %lt3A_250 = arith.cmpi slt, %broadcast_in_dim3A_248, %lt3A_249 : vector<16xi32>
              %add3A_251 = arith.constant 16 : i32
              %add3A_252 = vector.broadcast %add3A_251 : i32 to vector<16xi32>
              %add3A_253 = arith.addi %broadcast_in_dim3A_248, %add3A_252 : vector<16xi32>
              %select_n3A_254 = arith.select %lt3A_250, %add3A_253, %broadcast_in_dim3A_248 : vector<16xi1>, vector<16xi32>
              %broadcast_in_dim3A_255 = vector.shape_cast %select_n3A_254 : vector<16xi32> to vector<16x1xi32>
              %gather3A_256 = vector.shape_cast %broadcast_in_dim3A_255 : vector<16x1xi32> to vector<16xi32>
              %gather3A_257 = tpu.dynamic_gather %mul3A_219[%gather3A_256] in [0] : vector<16xf32>, vector<16xi32> -> vector<16xf32>
              %lt3A_258 = arith.constant 0 : i32
              %lt3A_259 = vector.broadcast %lt3A_258 : i32 to vector<16xi32>
              %lt3A_260 = arith.cmpi slt, %broadcast_in_dim3A_248, %lt3A_259 : vector<16xi32>
              %add3A_261 = arith.constant 16 : i32
              %add3A_262 = vector.broadcast %add3A_261 : i32 to vector<16xi32>
              %add3A_263 = arith.addi %broadcast_in_dim3A_248, %add3A_262 : vector<16xi32>
              %select_n3A_264 = arith.select %lt3A_260, %add3A_263, %broadcast_in_dim3A_248 : vector<16xi1>, vector<16xi32>
              %broadcast_in_dim3A_265 = vector.shape_cast %select_n3A_264 : vector<16xi32> to vector<16x1xi32>
              %gather3A_266 = vector.shape_cast %broadcast_in_dim3A_265 : vector<16x1xi32> to vector<16xi32>
              %gather3A_267 = tpu.dynamic_gather %mul3A_229[%gather3A_266] in [0] : vector<16xf32>, vector<16xi32> -> vector<16xf32>
              %get3A_268 = arith.index_cast %scan3A_247 : i32 to index
              %get3A_269 = arith.constant 0 : index
              %get3A_270 = tpu.vector_load %arg20[%get3A_268, %get3A_269] {strides = array<i32>} : memref<16x128xf32, #tpu.memory_space<vmem>>, vector<16xf32>,
              %get3A_271 = arith.index_cast %scan3A_247 : i32 to index
              %get3A_272 = arith.constant 0 : index
              %get3A_273 = tpu.vector_load %arg21[%get3A_271, %get3A_272] {strides = array<i32>} : memref<16x128xf32, #tpu.memory_space<vmem>>, vector<16xf32>,
              %get3A_274 = arith.constant 0 : index
              %get3A_275 = tpu.vector_load %arg22[%get3A_274] {strides = array<i32>} : memref<512xf32, #tpu.memory_space<vmem>>, vector<16xf32>,
              %mul3A_276 = arith.mulf %gather3A_257, %get3A_270 : vector<16xf32>
              %add3A_277 = arith.addf %get3A_275, %mul3A_276 : vector<16xf32>
              %swap3A_278 = arith.constant 0 : index
              %swap3A_279 = tpu.vector_load %arg22[%swap3A_278] {strides = array<i32>} : memref<512xf32, #tpu.memory_space<vmem>>, vector<16xf32>,
              tpu.vector_store %arg22[%swap3A_278], %add3A_277 {strides = array<i32>} : memref<512xf32, #tpu.memory_space<vmem>>, vector<16xf32>,
              %get3A_280 = arith.constant 128 : index
              %get3A_281 = tpu.vector_load %arg22[%get3A_280] {strides = array<i32>} : memref<512xf32, #tpu.memory_space<vmem>>, vector<16xf32>,
              %mul3A_282 = arith.mulf %gather3A_257, %get3A_273 : vector<16xf32>
              %add3A_283 = arith.addf %get3A_281, %mul3A_282 : vector<16xf32>
              %swap3A_284 = arith.constant 128 : index
              %swap3A_285 = tpu.vector_load %arg22[%swap3A_284] {strides = array<i32>} : memref<512xf32, #tpu.memory_space<vmem>>, vector<16xf32>,
              tpu.vector_store %arg22[%swap3A_284], %add3A_283 {strides = array<i32>} : memref<512xf32, #tpu.memory_space<vmem>>, vector<16xf32>,
              %get3A_286 = arith.constant 256 : index
              %get3A_287 = tpu.vector_load %arg22[%get3A_286] {strides = array<i32>} : memref<512xf32, #tpu.memory_space<vmem>>, vector<16xf32>,
              %mul3A_288 = arith.mulf %gather3A_267, %get3A_270 : vector<16xf32>
              %add3A_289 = arith.addf %get3A_287, %mul3A_288 : vector<16xf32>
              %swap3A_290 = arith.constant 256 : index
              %swap3A_291 = tpu.vector_load %arg22[%swap3A_290] {strides = array<i32>} : memref<512xf32, #tpu.memory_space<vmem>>, vector<16xf32>,
              tpu.vector_store %arg22[%swap3A_290], %add3A_289 {strides = array<i32>} : memref<512xf32, #tpu.memory_space<vmem>>, vector<16xf32>,
              %get3A_292 = arith.constant 384 : index
              %get3A_293 = tpu.vector_load %arg22[%get3A_292] {strides = array<i32>} : memref<512xf32, #tpu.memory_space<vmem>>, vector<16xf32>,
              %mul3A_294 = arith.mulf %gather3A_267, %get3A_273 : vector<16xf32>
              %add3A_295 = arith.addf %get3A_293, %mul3A_294 : vector<16xf32>
              %swap3A_296 = arith.constant 384 : index
              %swap3A_297 = tpu.vector_load %arg22[%swap3A_296] {strides = array<i32>} : memref<512xf32, #tpu.memory_space<vmem>>, vector<16xf32>,
              tpu.vector_store %arg22[%swap3A_296], %add3A_295 {strides = array<i32>} : memref<512xf32, #tpu.memory_space<vmem>>, vector<16xf32>,
              %get3A_298 = arith.index_cast %scan3A_247 : i32 to index
              %get3A_299 = arith.constant 16 : index
              %get3A_300 = tpu.vector_load %arg20[%get3A_298, %get3A_299] {strides = array<i32>} : memref<16x128xf32, #tpu.memory_space<vmem>>, vector<16xf32>,
              %get3A_301 = arith.index_cast %scan3A_247 : i32 to index
              %get3A_302 = arith.constant 16 : index
              %get3A_303 = tpu.vector_load %arg21[%get3A_301, %get3A_302] {strides = array<i32>} : memref<16x128xf32, #tpu.memory_space<vmem>>, vector<16xf32>,
              %get3A_304 = arith.constant 16 : index
              %get3A_305 = tpu.vector_load %arg22[%get3A_304] {strides = array<i32>} : memref<512xf32, #tpu.memory_space<vmem>>, vector<16xf32>,
              %mul3A_306 = arith.mulf %gather3A_257, %get3A_300 : vector<16xf32>
              %add3A_307 = arith.addf %get3A_305, %mul3A_306 : vector<16xf32>
              %swap3A_308 = arith.constant 16 : index
              %swap3A_309 = tpu.vector_load %arg22[%swap3A_308] {strides = array<i32>} : memref<512xf32, #tpu.memory_space<vmem>>, vector<16xf32>,
              tpu.vector_store %arg22[%swap3A_308], %add3A_307 {strides = array<i32>} : memref<512xf32, #tpu.memory_space<vmem>>, vector<16xf32>,
              %get3A_310 = arith.constant 144 : index
              %get3A_311 = tpu.vector_load %arg22[%get3A_310] {strides = array<i32>} : memref<512xf32, #tpu.memory_space<vmem>>, vector<16xf32>,
              %mul3A_312 = arith.mulf %gather3A_257, %get3A_303 : vector<16xf32>
              %add3A_313 = arith.addf %get3A_311, %mul3A_312 : vector<16xf32>
              %swap3A_314 = arith.constant 144 : index
              %swap3A_315 = tpu.vector_load %arg22[%swap3A_314] {strides = array<i32>} : memref<512xf32, #tpu.memory_space<vmem>>, vector<16xf32>,
              tpu.vector_store %arg22[%swap3A_314], %add3A_313 {strides = array<i32>} : memref<512xf32, #tpu.memory_space<vmem>>, vector<16xf32>,
              %get3A_316 = arith.constant 272 : index
              %get3A_317 = tpu.vector_load %arg22[%get3A_316] {strides = array<i32>} : memref<512xf32, #tpu.memory_space<vmem>>, vector<16xf32>,
              %mul3A_318 = arith.mulf %gather3A_267, %get3A_300 : vector<16xf32>
              %add3A_319 = arith.addf %get3A_317, %mul3A_318 : vector<16xf32>
              %swap3A_320 = arith.constant 272 : index
              %swap3A_321 = tpu.vector_load %arg22[%swap3A_320] {strides = array<i32>} : memref<512xf32, #tpu.memory_space<vmem>>, vector<16xf32>,
              tpu.vector_store %arg22[%swap3A_320], %add3A_319 {strides = array<i32>} : memref<512xf32, #tpu.memory_space<vmem>>, vector<16xf32>,
              %get3A_322 = arith.constant 400 : index
              %get3A_323 = tpu.vector_load %arg22[%get3A_322] {strides = array<i32>} : memref<512xf32, #tpu.memory_space<vmem>>, vector<16xf32>,
              %mul3A_324 = arith.mulf %gather3A_267, %get3A_303 : vector<16xf32>
              %add3A_325 = arith.addf %get3A_323, %mul3A_324 : vector<16xf32>
              %swap3A_326 = arith.constant 400 : index
              %swap3A_327 = tpu.vector_load %arg22[%swap3A_326] {strides = array<i32>} : memref<512xf32, #tpu.memory_space<vmem>>, vector<16xf32>,
              tpu.vector_store %arg22[%swap3A_326], %add3A_325 {strides = array<i32>} : memref<512xf32, #tpu.memory_space<vmem>>, vector<16xf32>,
              %get3A_328 = arith.index_cast %scan3A_247 : i32 to index
              %get3A_329 = arith.constant 32 : index
              %get3A_330 = tpu.vector_load %arg20[%get3A_328, %get3A_329] {strides = array<i32>} : memref<16x128xf32, #tpu.memory_space<vmem>>, vector<16xf32>,
              %get3A_331 = arith.index_cast %scan3A_247 : i32 to index
              %get3A_332 = arith.constant 32 : index
              %get3A_333 = tpu.vector_load %arg21[%get3A_331, %get3A_332] {strides = array<i32>} : memref<16x128xf32, #tpu.memory_space<vmem>>, vector<16xf32>,
              %get3A_334 = arith.constant 32 : index
              %get3A_335 = tpu.vector_load %arg22[%get3A_334] {strides = array<i32>} : memref<512xf32, #tpu.memory_space<vmem>>, vector<16xf32>,
              %mul3A_336 = arith.mulf %gather3A_257, %get3A_330 : vector<16xf32>
              %add3A_337 = arith.addf %get3A_335, %mul3A_336 : vector<16xf32>
              %swap3A_338 = arith.constant 32 : index
              %swap3A_339 = tpu.vector_load %arg22[%swap3A_338] {strides = array<i32>} : memref<512xf32, #tpu.memory_space<vmem>>, vector<16xf32>,
              tpu.vector_store %arg22[%swap3A_338], %add3A_337 {strides = array<i32>} : memref<512xf32, #tpu.memory_space<vmem>>, vector<16xf32>,
              %get3A_340 = arith.constant 160 : index
              %get3A_341 = tpu.vector_load %arg22[%get3A_340] {strides = array<i32>} : memref<512xf32, #tpu.memory_space<vmem>>, vector<16xf32>,
              %mul3A_342 = arith.mulf %gather3A_257, %get3A_333 : vector<16xf32>
              %add3A_343 = arith.addf %get3A_341, %mul3A_342 : vector<16xf32>
              %swap3A_344 = arith.constant 160 : index
              %swap3A_345 = tpu.vector_load %arg22[%swap3A_344] {strides = array<i32>} : memref<512xf32, #tpu.memory_space<vmem>>, vector<16xf32>,
              tpu.vector_store %arg22[%swap3A_344], %add3A_343 {strides = array<i32>} : memref<512xf32, #tpu.memory_space<vmem>>, vector<16xf32>,
              %get3A_346 = arith.constant 288 : index
              %get3A_347 = tpu.vector_load %arg22[%get3A_346] {strides = array<i32>} : memref<512xf32, #tpu.memory_space<vmem>>, vector<16xf32>,
              %mul3A_348 = arith.mulf %gather3A_267, %get3A_330 : vector<16xf32>
              %add3A_349 = arith.addf %get3A_347, %mul3A_348 : vector<16xf32>
              %swap3A_350 = arith.constant 288 : index
              %swap3A_351 = tpu.vector_load %arg22[%swap3A_350] {strides = array<i32>} : memref<512xf32, #tpu.memory_space<vmem>>, vector<16xf32>,
              tpu.vector_store %arg22[%swap3A_350], %add3A_349 {strides = array<i32>} : memref<512xf32, #tpu.memory_space<vmem>>, vector<16xf32>,
              %get3A_352 = arith.constant 416 : index
              %get3A_353 = tpu.vector_load %arg22[%get3A_352] {strides = array<i32>} : memref<512xf32, #tpu.memory_space<vmem>>, vector<16xf32>,
              %mul3A_354 = arith.mulf %gather3A_267, %get3A_333 : vector<16xf32>
              %add3A_355 = arith.addf %get3A_353, %mul3A_354 : vector<16xf32>
              %swap3A_356 = arith.constant 416 : index
              %swap3A_357 = tpu.vector_load %arg22[%swap3A_356] {strides = array<i32>} : memref<512xf32, #tpu.memory_space<vmem>>, vector<16xf32>,
              tpu.vector_store %arg22[%swap3A_356], %add3A_355 {strides = array<i32>} : memref<512xf32, #tpu.memory_space<vmem>>, vector<16xf32>,
              %get3A_358 = arith.index_cast %scan3A_247 : i32 to index
              %get3A_359 = arith.constant 48 : index
              %get3A_360 = tpu.vector_load %arg20[%get3A_358, %get3A_359] {strides = array<i32>} : memref<16x128xf32, #tpu.memory_space<vmem>>, vector<16xf32>,
              %get3A_361 = arith.index_cast %scan3A_247 : i32 to index
              %get3A_362 = arith.constant 48 : index
              %get3A_363 = tpu.vector_load %arg21[%get3A_361, %get3A_362] {strides = array<i32>} : memref<16x128xf32, #tpu.memory_space<vmem>>, vector<16xf32>,
              %get3A_364 = arith.constant 48 : index
              %get3A_365 = tpu.vector_load %arg22[%get3A_364] {strides = array<i32>} : memref<512xf32, #tpu.memory_space<vmem>>, vector<16xf32>,
              %mul3A_366 = arith.mulf %gather3A_257, %get3A_360 : vector<16xf32>
              %add3A_367 = arith.addf %get3A_365, %mul3A_366 : vector<16xf32>
              %swap3A_368 = arith.constant 48 : index
              %swap3A_369 = tpu.vector_load %arg22[%swap3A_368] {strides = array<i32>} : memref<512xf32, #tpu.memory_space<vmem>>, vector<16xf32>,
              tpu.vector_store %arg22[%swap3A_368], %add3A_367 {strides = array<i32>} : memref<512xf32, #tpu.memory_space<vmem>>, vector<16xf32>,
              %get3A_370 = arith.constant 176 : index
              %get3A_371 = tpu.vector_load %arg22[%get3A_370] {strides = array<i32>} : memref<512xf32, #tpu.memory_space<vmem>>, vector<16xf32>,
              %mul3A_372 = arith.mulf %gather3A_257, %get3A_363 : vector<16xf32>
              %add3A_373 = arith.addf %get3A_371, %mul3A_372 : vector<16xf32>
              %swap3A_374 = arith.constant 176 : index
              %swap3A_375 = tpu.vector_load %arg22[%swap3A_374] {strides = array<i32>} : memref<512xf32, #tpu.memory_space<vmem>>, vector<16xf32>,
              tpu.vector_store %arg22[%swap3A_374], %add3A_373 {strides = array<i32>} : memref<512xf32, #tpu.memory_space<vmem>>, vector<16xf32>,
              %get3A_376 = arith.constant 304 : index
              %get3A_377 = tpu.vector_load %arg22[%get3A_376] {strides = array<i32>} : memref<512xf32, #tpu.memory_space<vmem>>, vector<16xf32>,
              %mul3A_378 = arith.mulf %gather3A_267, %get3A_360 : vector<16xf32>
              %add3A_379 = arith.addf %get3A_377, %mul3A_378 : vector<16xf32>
              %swap3A_380 = arith.constant 304 : index
              %swap3A_381 = tpu.vector_load %arg22[%swap3A_380] {strides = array<i32>} : memref<512xf32, #tpu.memory_space<vmem>>, vector<16xf32>,
              tpu.vector_store %arg22[%swap3A_380], %add3A_379 {strides = array<i32>} : memref<512xf32, #tpu.memory_space<vmem>>, vector<16xf32>,
              %get3A_382 = arith.constant 432 : index
              %get3A_383 = tpu.vector_load %arg22[%get3A_382] {strides = array<i32>} : memref<512xf32, #tpu.memory_space<vmem>>, vector<16xf32>,
              %mul3A_384 = arith.mulf %gather3A_267, %get3A_363 : vector<16xf32>
              %add3A_385 = arith.addf %get3A_383, %mul3A_384 : vector<16xf32>
              %swap3A_386 = arith.constant 432 : index
              %swap3A_387 = tpu.vector_load %arg22[%swap3A_386] {strides = array<i32>} : memref<512xf32, #tpu.memory_space<vmem>>, vector<16xf32>,
              tpu.vector_store %arg22[%swap3A_386], %add3A_385 {strides = array<i32>} : memref<512xf32, #tpu.memory_space<vmem>>, vector<16xf32>,
              %get3A_388 = arith.index_cast %scan3A_247 : i32 to index
              %get3A_389 = arith.constant 64 : index
              %get3A_390 = tpu.vector_load %arg20[%get3A_388, %get3A_389] {strides = array<i32>} : memref<16x128xf32, #tpu.memory_space<vmem>>, vector<16xf32>,
              %get3A_391 = arith.index_cast %scan3A_247 : i32 to index
              %get3A_392 = arith.constant 64 : index
              %get3A_393 = tpu.vector_load %arg21[%get3A_391, %get3A_392] {strides = array<i32>} : memref<16x128xf32, #tpu.memory_space<vmem>>, vector<16xf32>,
              %get3A_394 = arith.constant 64 : index
              %get3A_395 = tpu.vector_load %arg22[%get3A_394] {strides = array<i32>} : memref<512xf32, #tpu.memory_space<vmem>>, vector<16xf32>,
              %mul3A_396 = arith.mulf %gather3A_257, %get3A_390 : vector<16xf32>
              %add3A_397 = arith.addf %get3A_395, %mul3A_396 : vector<16xf32>
              %swap3A_398 = arith.constant 64 : index
              %swap3A_399 = tpu.vector_load %arg22[%swap3A_398] {strides = array<i32>} : memref<512xf32, #tpu.memory_space<vmem>>, vector<16xf32>,
              tpu.vector_store %arg22[%swap3A_398], %add3A_397 {strides = array<i32>} : memref<512xf32, #tpu.memory_space<vmem>>, vector<16xf32>,
              %get3A_400 = arith.constant 192 : index
              %get3A_401 = tpu.vector_load %arg22[%get3A_400] {strides = array<i32>} : memref<512xf32, #tpu.memory_space<vmem>>, vector<16xf32>,
              %mul3A_402 = arith.mulf %gather3A_257, %get3A_393 : vector<16xf32>
              %add3A_403 = arith.addf %get3A_401, %mul3A_402 : vector<16xf32>
              %swap3A_404 = arith.constant 192 : index
              %swap3A_405 = tpu.vector_load %arg22[%swap3A_404] {strides = array<i32>} : memref<512xf32, #tpu.memory_space<vmem>>, vector<16xf32>,
              tpu.vector_store %arg22[%swap3A_404], %add3A_403 {strides = array<i32>} : memref<512xf32, #tpu.memory_space<vmem>>, vector<16xf32>,
              %get3A_406 = arith.constant 320 : index
              %get3A_407 = tpu.vector_load %arg22[%get3A_406] {strides = array<i32>} : memref<512xf32, #tpu.memory_space<vmem>>, vector<16xf32>,
              %mul3A_408 = arith.mulf %gather3A_267, %get3A_390 : vector<16xf32>
              %add3A_409 = arith.addf %get3A_407, %mul3A_408 : vector<16xf32>
              %swap3A_410 = arith.constant 320 : index
              %swap3A_411 = tpu.vector_load %arg22[%swap3A_410] {strides = array<i32>} : memref<512xf32, #tpu.memory_space<vmem>>, vector<16xf32>,
              tpu.vector_store %arg22[%swap3A_410], %add3A_409 {strides = array<i32>} : memref<512xf32, #tpu.memory_space<vmem>>, vector<16xf32>,
              %get3A_412 = arith.constant 448 : index
              %get3A_413 = tpu.vector_load %arg22[%get3A_412] {strides = array<i32>} : memref<512xf32, #tpu.memory_space<vmem>>, vector<16xf32>,
              %mul3A_414 = arith.mulf %gather3A_267, %get3A_393 : vector<16xf32>
              %add3A_415 = arith.addf %get3A_413, %mul3A_414 : vector<16xf32>
              %swap3A_416 = arith.constant 448 : index
              %swap3A_417 = tpu.vector_load %arg22[%swap3A_416] {strides = array<i32>} : memref<512xf32, #tpu.memory_space<vmem>>, vector<16xf32>,
              tpu.vector_store %arg22[%swap3A_416], %add3A_415 {strides = array<i32>} : memref<512xf32, #tpu.memory_space<vmem>>, vector<16xf32>,
              %get3A_418 = arith.index_cast %scan3A_247 : i32 to index
              %get3A_419 = arith.constant 80 : index
              %get3A_420 = tpu.vector_load %arg20[%get3A_418, %get3A_419] {strides = array<i32>} : memref<16x128xf32, #tpu.memory_space<vmem>>, vector<16xf32>,
              %get3A_421 = arith.index_cast %scan3A_247 : i32 to index
              %get3A_422 = arith.constant 80 : index
              %get3A_423 = tpu.vector_load %arg21[%get3A_421, %get3A_422] {strides = array<i32>} : memref<16x128xf32, #tpu.memory_space<vmem>>, vector<16xf32>,
              %get3A_424 = arith.constant 80 : index
              %get3A_425 = tpu.vector_load %arg22[%get3A_424] {strides = array<i32>} : memref<512xf32, #tpu.memory_space<vmem>>, vector<16xf32>,
              %mul3A_426 = arith.mulf %gather3A_257, %get3A_420 : vector<16xf32>
              %add3A_427 = arith.addf %get3A_425, %mul3A_426 : vector<16xf32>
              %swap3A_428 = arith.constant 80 : index
              %swap3A_429 = tpu.vector_load %arg22[%swap3A_428] {strides = array<i32>} : memref<512xf32, #tpu.memory_space<vmem>>, vector<16xf32>,
              tpu.vector_store %arg22[%swap3A_428], %add3A_427 {strides = array<i32>} : memref<512xf32, #tpu.memory_space<vmem>>, vector<16xf32>,
              %get3A_430 = arith.constant 208 : index
              %get3A_431 = tpu.vector_load %arg22[%get3A_430] {strides = array<i32>} : memref<512xf32, #tpu.memory_space<vmem>>, vector<16xf32>,
              %mul3A_432 = arith.mulf %gather3A_257, %get3A_423 : vector<16xf32>
              %add3A_433 = arith.addf %get3A_431, %mul3A_432 : vector<16xf32>
              %swap3A_434 = arith.constant 208 : index
              %swap3A_435 = tpu.vector_load %arg22[%swap3A_434] {strides = array<i32>} : memref<512xf32, #tpu.memory_space<vmem>>, vector<16xf32>,
              tpu.vector_store %arg22[%swap3A_434], %add3A_433 {strides = array<i32>} : memref<512xf32, #tpu.memory_space<vmem>>, vector<16xf32>,
              %get3A_436 = arith.constant 336 : index
              %get3A_437 = tpu.vector_load %arg22[%get3A_436] {strides = array<i32>} : memref<512xf32, #tpu.memory_space<vmem>>, vector<16xf32>,
              %mul3A_438 = arith.mulf %gather3A_267, %get3A_420 : vector<16xf32>
              %add3A_439 = arith.addf %get3A_437, %mul3A_438 : vector<16xf32>
              %swap3A_440 = arith.constant 336 : index
              %swap3A_441 = tpu.vector_load %arg22[%swap3A_440] {strides = array<i32>} : memref<512xf32, #tpu.memory_space<vmem>>, vector<16xf32>,
              tpu.vector_store %arg22[%swap3A_440], %add3A_439 {strides = array<i32>} : memref<512xf32, #tpu.memory_space<vmem>>, vector<16xf32>,
              %get3A_442 = arith.constant 464 : index
              %get3A_443 = tpu.vector_load %arg22[%get3A_442] {strides = array<i32>} : memref<512xf32, #tpu.memory_space<vmem>>, vector<16xf32>,
              %mul3A_444 = arith.mulf %gather3A_267, %get3A_423 : vector<16xf32>
              %add3A_445 = arith.addf %get3A_443, %mul3A_444 : vector<16xf32>
              %swap3A_446 = arith.constant 464 : index
              %swap3A_447 = tpu.vector_load %arg22[%swap3A_446] {strides = array<i32>} : memref<512xf32, #tpu.memory_space<vmem>>, vector<16xf32>,
              tpu.vector_store %arg22[%swap3A_446], %add3A_445 {strides = array<i32>} : memref<512xf32, #tpu.memory_space<vmem>>, vector<16xf32>,
              %get3A_448 = arith.index_cast %scan3A_247 : i32 to index
              %get3A_449 = arith.constant 96 : index
              %get3A_450 = tpu.vector_load %arg20[%get3A_448, %get3A_449] {strides = array<i32>} : memref<16x128xf32, #tpu.memory_space<vmem>>, vector<16xf32>,
              %get3A_451 = arith.index_cast %scan3A_247 : i32 to index
              %get3A_452 = arith.constant 96 : index
              %get3A_453 = tpu.vector_load %arg21[%get3A_451, %get3A_452] {strides = array<i32>} : memref<16x128xf32, #tpu.memory_space<vmem>>, vector<16xf32>,
              %get3A_454 = arith.constant 96 : index
              %get3A_455 = tpu.vector_load %arg22[%get3A_454] {strides = array<i32>} : memref<512xf32, #tpu.memory_space<vmem>>, vector<16xf32>,
              %mul3A_456 = arith.mulf %gather3A_257, %get3A_450 : vector<16xf32>
              %add3A_457 = arith.addf %get3A_455, %mul3A_456 : vector<16xf32>
              %swap3A_458 = arith.constant 96 : index
              %swap3A_459 = tpu.vector_load %arg22[%swap3A_458] {strides = array<i32>} : memref<512xf32, #tpu.memory_space<vmem>>, vector<16xf32>,
              tpu.vector_store %arg22[%swap3A_458], %add3A_457 {strides = array<i32>} : memref<512xf32, #tpu.memory_space<vmem>>, vector<16xf32>,
              %get3A_460 = arith.constant 224 : index
              %get3A_461 = tpu.vector_load %arg22[%get3A_460] {strides = array<i32>} : memref<512xf32, #tpu.memory_space<vmem>>, vector<16xf32>,
              %mul3A_462 = arith.mulf %gather3A_257, %get3A_453 : vector<16xf32>
              %add3A_463 = arith.addf %get3A_461, %mul3A_462 : vector<16xf32>
              %swap3A_464 = arith.constant 224 : index
              %swap3A_465 = tpu.vector_load %arg22[%swap3A_464] {strides = array<i32>} : memref<512xf32, #tpu.memory_space<vmem>>, vector<16xf32>,
              tpu.vector_store %arg22[%swap3A_464], %add3A_463 {strides = array<i32>} : memref<512xf32, #tpu.memory_space<vmem>>, vector<16xf32>,
              %get3A_466 = arith.constant 352 : index
              %get3A_467 = tpu.vector_load %arg22[%get3A_466] {strides = array<i32>} : memref<512xf32, #tpu.memory_space<vmem>>, vector<16xf32>,
              %mul3A_468 = arith.mulf %gather3A_267, %get3A_450 : vector<16xf32>
              %add3A_469 = arith.addf %get3A_467, %mul3A_468 : vector<16xf32>
              %swap3A_470 = arith.constant 352 : index
              %swap3A_471 = tpu.vector_load %arg22[%swap3A_470] {strides = array<i32>} : memref<512xf32, #tpu.memory_space<vmem>>, vector<16xf32>,
              tpu.vector_store %arg22[%swap3A_470], %add3A_469 {strides = array<i32>} : memref<512xf32, #tpu.memory_space<vmem>>, vector<16xf32>,
              %get3A_472 = arith.constant 480 : index
              %get3A_473 = tpu.vector_load %arg22[%get3A_472] {strides = array<i32>} : memref<512xf32, #tpu.memory_space<vmem>>, vector<16xf32>,
              %mul3A_474 = arith.mulf %gather3A_267, %get3A_453 : vector<16xf32>
              %add3A_475 = arith.addf %get3A_473, %mul3A_474 : vector<16xf32>
              %swap3A_476 = arith.constant 480 : index
              %swap3A_477 = tpu.vector_load %arg22[%swap3A_476] {strides = array<i32>} : memref<512xf32, #tpu.memory_space<vmem>>, vector<16xf32>,
              tpu.vector_store %arg22[%swap3A_476], %add3A_475 {strides = array<i32>} : memref<512xf32, #tpu.memory_space<vmem>>, vector<16xf32>,
              %get3A_478 = arith.index_cast %scan3A_247 : i32 to index
              %get3A_479 = arith.constant 112 : index
              %get3A_480 = tpu.vector_load %arg20[%get3A_478, %get3A_479] {strides = array<i32>} : memref<16x128xf32, #tpu.memory_space<vmem>>, vector<16xf32>,
              %get3A_481 = arith.index_cast %scan3A_247 : i32 to index
              %get3A_482 = arith.constant 112 : index
              %get3A_483 = tpu.vector_load %arg21[%get3A_481, %get3A_482] {strides = array<i32>} : memref<16x128xf32, #tpu.memory_space<vmem>>, vector<16xf32>,
              %get3A_484 = arith.constant 112 : index
              %get3A_485 = tpu.vector_load %arg22[%get3A_484] {strides = array<i32>} : memref<512xf32, #tpu.memory_space<vmem>>, vector<16xf32>,
              %mul3A_486 = arith.mulf %gather3A_257, %get3A_480 : vector<16xf32>
              %add3A_487 = arith.addf %get3A_485, %mul3A_486 : vector<16xf32>
              %swap3A_488 = arith.constant 112 : index
              %swap3A_489 = tpu.vector_load %arg22[%swap3A_488] {strides = array<i32>} : memref<512xf32, #tpu.memory_space<vmem>>, vector<16xf32>,
              tpu.vector_store %arg22[%swap3A_488], %add3A_487 {strides = array<i32>} : memref<512xf32, #tpu.memory_space<vmem>>, vector<16xf32>,
              %get3A_490 = arith.constant 240 : index
              %get3A_491 = tpu.vector_load %arg22[%get3A_490] {strides = array<i32>} : memref<512xf32, #tpu.memory_space<vmem>>, vector<16xf32>,
              %mul3A_492 = arith.mulf %gather3A_257, %get3A_483 : vector<16xf32>
              %add3A_493 = arith.addf %get3A_491, %mul3A_492 : vector<16xf32>
              %swap3A_494 = arith.constant 240 : index
              %swap3A_495 = tpu.vector_load %arg22[%swap3A_494] {strides = array<i32>} : memref<512xf32, #tpu.memory_space<vmem>>, vector<16xf32>,
              tpu.vector_store %arg22[%swap3A_494], %add3A_493 {strides = array<i32>} : memref<512xf32, #tpu.memory_space<vmem>>, vector<16xf32>,
              %get3A_496 = arith.constant 368 : index
              %get3A_497 = tpu.vector_load %arg22[%get3A_496] {strides = array<i32>} : memref<512xf32, #tpu.memory_space<vmem>>, vector<16xf32>,
              %mul3A_498 = arith.mulf %gather3A_267, %get3A_480 : vector<16xf32>
              %add3A_499 = arith.addf %get3A_497, %mul3A_498 : vector<16xf32>
              %swap3A_500 = arith.constant 368 : index
              %swap3A_501 = tpu.vector_load %arg22[%swap3A_500] {strides = array<i32>} : memref<512xf32, #tpu.memory_space<vmem>>, vector<16xf32>,
              tpu.vector_store %arg22[%swap3A_500], %add3A_499 {strides = array<i32>} : memref<512xf32, #tpu.memory_space<vmem>>, vector<16xf32>,
              %get3A_502 = arith.constant 496 : index
              %get3A_503 = tpu.vector_load %arg22[%get3A_502] {strides = array<i32>} : memref<512xf32, #tpu.memory_space<vmem>>, vector<16xf32>,
              %mul3A_504 = arith.mulf %gather3A_267, %get3A_483 : vector<16xf32>
              %add3A_505 = arith.addf %get3A_503, %mul3A_504 : vector<16xf32>
              %swap3A_506 = arith.constant 496 : index
              %swap3A_507 = tpu.vector_load %arg22[%swap3A_506] {strides = array<i32>} : memref<512xf32, #tpu.memory_space<vmem>>, vector<16xf32>,
              tpu.vector_store %arg22[%swap3A_506], %add3A_505 {strides = array<i32>} : memref<512xf32, #tpu.memory_space<vmem>>, vector<16xf32>,
            }
            %scan3A_246 = arith.constant 16 : i32
          } else {
          }
        }
        %scan3A_151 = arith.constant 40 : i32
      } else {
      }
    }
    %scan3A_105 = arith.constant 8 : i32
    %dma_wait3A_106 = arith.constant 0 : i32
    %dma_wait3A_107 = arith.constant 5120 : i32
    %dma_wait3A_108 = tpu.memref_slice %arg12[%dma_wait3A_106, %dma_wait3A_107] : memref<2x10240xi32, #tpu.memory_space<vmem>> -> memref<2x5120xi32, #tpu.memory_space<vmem>>
    %dma_wait3A_109 = arith.constant 0 : i32
    %dma_wait3A_110 = tpu.memref_slice %arg2[%dma_wait3A_109, %add3A_14] : memref<2x320000xi32, #tpu.memory_space<hbm>> -> memref<2x5120xi32, #tpu.memory_space<hbm>>
    %dma_wait3A_111 = arith.constant 0 : i32
    %dma_wait3A_112 = arith.constant 5120 : i32
    %dma_wait3A_113 = tpu.memref_slice %arg12[%dma_wait3A_111, %dma_wait3A_112] : memref<2x10240xi32, #tpu.memory_space<vmem>> -> memref<2x5120xi32, #tpu.memory_space<vmem>>
    %dma_wait3A_114 = arith.constant 0 : i32
    %dma_wait3A_115 = tpu.memref_slice %arg2[%dma_wait3A_114, %add3A_14] : memref<2x320000xi32, #tpu.memory_space<hbm>> -> memref<2x5120xi32, #tpu.memory_space<hbm>>
    tpu.wait_dma2 semaphore(%arg30 : memref<!tpu.dma_semaphore, #tpu.memory_space<semaphore_mem>>) src(%dma_wait3A_115 : memref<2x5120xi32, #tpu.memory_space<hbm>>) dst(%dma_wait3A_113 : memref<2x5120xi32, #tpu.memory_space<vmem>>)
    %scan3A_116 = arith.constant 0 : i32
    %scan3A_117 = arith.constant 8 : i32
    %scan3A_118 = arith.constant 8 : i32
    %scan3A_119 = arith.addi %scan3A_117, %scan3A_118 : i32
    %scan3A_120 = arith.constant 1 : i32
    scf.for %scan3A_126 = %scan3A_117 to %scan3A_119 step %scan3A_120  : i32 {
      %mul3A_127 = arith.constant 40 : i32
      %mul3A_128 = arith.muli %scan3A_126, %mul3A_127 : i32
      %broadcast_in_dim3A_129 = arith.constant 0 : i32
      %broadcast_in_dim3A_130 = vector.broadcast %broadcast_in_dim3A_129 : i32 to vector<16xi32>
      %scan3A_131 = arith.constant 0 : i32
      %scan3A_132 = arith.constant 5 : i32
      %scan3A_133 = arith.addi %scan3A_131, %scan3A_132 : i32
      %scan3A_134 = arith.constant 1 : i32
      %scan3A_135 = scf.for %scan3A_146 = %scan3A_131 to %scan3A_133 step %scan3A_134 iter_args(%scan3A_147 = %broadcast_in_dim3A_130) -> (vector<16xi32>)  : i32 {
        %mul3A_148 = arith.constant 8 : i32
        %mul3A_149 = arith.muli %scan3A_146, %mul3A_148 : i32
        %add3A_150 = arith.addi %mul3A_128, %mul3A_149 : i32
        %mul3A_151 = arith.constant 16 : i32
        %mul3A_152 = arith.muli %add3A_150, %mul3A_151 : i32
        %add3A_153 = arith.constant 0 : i32
        %add3A_154 = arith.addi %mul3A_152, %add3A_153 : i32
        %get3A_155 = arith.constant 1 : i32
        %get3A_156 = arith.index_cast %get3A_155 : i32 to index
        %get3A_157 = arith.index_cast %add3A_154 : i32 to index
        %get3A_158 = tpu.vector_load %arg12[%get3A_156, %get3A_157] {strides = array<i32>} : memref<2x10240xi32, #tpu.memory_space<vmem>>, vector<16xi32>,
        %eq3A = arith.cmpi eq, %get3A_158, %get3A_91 : vector<16xi32>
        %convert_element_type3A_159 = arith.extui %eq3A : vector<16xi1> to vector<16xi32>
        %or3A = arith.ori %scan3A_147, %convert_element_type3A_159 : vector<16xi32>
        %add3A_160 = arith.constant 16 : i32
        %add3A_161 = arith.addi %mul3A_152, %add3A_160 : i32
        %get3A_162 = arith.constant 1 : i32
        %get3A_163 = arith.index_cast %get3A_162 : i32 to index
        %get3A_164 = arith.index_cast %add3A_161 : i32 to index
        %get3A_165 = tpu.vector_load %arg12[%get3A_163, %get3A_164] {strides = array<i32>} : memref<2x10240xi32, #tpu.memory_space<vmem>>, vector<16xi32>,
        %eq3A_166 = arith.cmpi eq, %get3A_165, %get3A_91 : vector<16xi32>
        %convert_element_type3A_167 = arith.extui %eq3A_166 : vector<16xi1> to vector<16xi32>
        %or3A_168 = arith.ori %or3A, %convert_element_type3A_167 : vector<16xi32>
        %add3A_169 = arith.constant 32 : i32
        %add3A_170 = arith.addi %mul3A_152, %add3A_169 : i32
        %get3A_171 = arith.constant 1 : i32
        %get3A_172 = arith.index_cast %get3A_171 : i32 to index
        %get3A_173 = arith.index_cast %add3A_170 : i32 to index
        %get3A_174 = tpu.vector_load %arg12[%get3A_172, %get3A_173] {strides = array<i32>} : memref<2x10240xi32, #tpu.memory_space<vmem>>, vector<16xi32>,
        %eq3A_175 = arith.cmpi eq, %get3A_174, %get3A_91 : vector<16xi32>
        %convert_element_type3A_176 = arith.extui %eq3A_175 : vector<16xi1> to vector<16xi32>
        %or3A_177 = arith.ori %or3A_168, %convert_element_type3A_176 : vector<16xi32>
        %add3A_178 = arith.constant 48 : i32
        %add3A_179 = arith.addi %mul3A_152, %add3A_178 : i32
        %get3A_180 = arith.constant 1 : i32
        %get3A_181 = arith.index_cast %get3A_180 : i32 to index
        %get3A_182 = arith.index_cast %add3A_179 : i32 to index
        %get3A_183 = tpu.vector_load %arg12[%get3A_181, %get3A_182] {strides = array<i32>} : memref<2x10240xi32, #tpu.memory_space<vmem>>, vector<16xi32>,
        %eq3A_184 = arith.cmpi eq, %get3A_183, %get3A_91 : vector<16xi32>
        %convert_element_type3A_185 = arith.extui %eq3A_184 : vector<16xi1> to vector<16xi32>
        %or3A_186 = arith.ori %or3A_177, %convert_element_type3A_185 : vector<16xi32>
        %add3A_187 = arith.constant 64 : i32
        %add3A_188 = arith.addi %mul3A_152, %add3A_187 : i32
        %get3A_189 = arith.constant 1 : i32
        %get3A_190 = arith.index_cast %get3A_189 : i32 to index
        %get3A_191 = arith.index_cast %add3A_188 : i32 to index
        %get3A_192 = tpu.vector_load %arg12[%get3A_190, %get3A_191] {strides = array<i32>} : memref<2x10240xi32, #tpu.memory_space<vmem>>, vector<16xi32>,
        %eq3A_193 = arith.cmpi eq, %get3A_192, %get3A_91 : vector<16xi32>
        %convert_element_type3A_194 = arith.extui %eq3A_193 : vector<16xi1> to vector<16xi32>
        %or3A_195 = arith.ori %or3A_186, %convert_element_type3A_194 : vector<16xi32>
        %add3A_196 = arith.constant 80 : i32
        %add3A_197 = arith.addi %mul3A_152, %add3A_196 : i32
        %get3A_198 = arith.constant 1 : i32
        %get3A_199 = arith.index_cast %get3A_198 : i32 to index
        %get3A_200 = arith.index_cast %add3A_197 : i32 to index
        %get3A_201 = tpu.vector_load %arg12[%get3A_199, %get3A_200] {strides = array<i32>} : memref<2x10240xi32, #tpu.memory_space<vmem>>, vector<16xi32>,
        %eq3A_202 = arith.cmpi eq, %get3A_201, %get3A_91 : vector<16xi32>
        %convert_element_type3A_203 = arith.extui %eq3A_202 : vector<16xi1> to vector<16xi32>
        %or3A_204 = arith.ori %or3A_195, %convert_element_type3A_203 : vector<16xi32>
        %add3A_205 = arith.constant 96 : i32
        %add3A_206 = arith.addi %mul3A_152, %add3A_205 : i32
        %get3A_207 = arith.constant 1 : i32
        %get3A_208 = arith.index_cast %get3A_207 : i32 to index
        %get3A_209 = arith.index_cast %add3A_206 : i32 to index
        %get3A_210 = tpu.vector_load %arg12[%get3A_208, %get3A_209] {strides = array<i32>} : memref<2x10240xi32, #tpu.memory_space<vmem>>, vector<16xi32>,
        %eq3A_211 = arith.cmpi eq, %get3A_210, %get3A_91 : vector<16xi32>
        %convert_element_type3A_212 = arith.extui %eq3A_211 : vector<16xi1> to vector<16xi32>
        %or3A_213 = arith.ori %or3A_204, %convert_element_type3A_212 : vector<16xi32>
        %add3A_214 = arith.constant 112 : i32
        %add3A_215 = arith.addi %mul3A_152, %add3A_214 : i32
        %get3A_216 = arith.constant 1 : i32
        %get3A_217 = arith.index_cast %get3A_216 : i32 to index
        %get3A_218 = arith.index_cast %add3A_215 : i32 to index
        %get3A_219 = tpu.vector_load %arg12[%get3A_217, %get3A_218] {strides = array<i32>} : memref<2x10240xi32, #tpu.memory_space<vmem>>, vector<16xi32>,
        %eq3A_220 = arith.cmpi eq, %get3A_219, %get3A_91 : vector<16xi32>
        %convert_element_type3A_221 = arith.extui %eq3A_220 : vector<16xi1> to vector<16xi32>
        %or3A_222 = arith.ori %or3A_213, %convert_element_type3A_221 : vector<16xi32>
        scf.yield %or3A_222 : vector<16xi32>
      }
      %scan3A_136 = arith.constant 5 : i32
      %reduce_max3A = arith.constant true
      %reduce_max3A_137 = vector.broadcast %reduce_max3A : i1 to vector<16xi1>
      %reduce_max3A_138 = arith.constant -2147483648 : i32
      %reduce_max3A_139 = vector.broadcast %reduce_max3A_138 : i32 to vector<16xi32>
      %reduce_max3A_140 = arith.xori %scan3A_135, %reduce_max3A_139 : vector<16xi32>
      %reduce_max3A_141 = tpu.scan <max>, %reduce_max3A_140 masked %reduce_max3A_137 : vector<16xi32>, vector<16xi1> -> vector<16xi32>
      %reduce_max3A_142 = arith.xori %reduce_max3A_141, %reduce_max3A_139 : vector<16xi32>
      %reduce_max3A_143 = vector.extract %reduce_max3A_142[15] : i32 from vector<16xi32>
      %gt3A = arith.constant 0 : i32
      %gt3A_144 = arith.cmpi sgt, %reduce_max3A_143, %gt3A : i32
      %convert_element_type3A = arith.extui %gt3A_144 : i1 to i32
      %cond3A = arith.constant 0 : i32
      %cond3A_145 = arith.cmpi ne, %convert_element_type3A, %cond3A : i32
      scf.if %cond3A_145 {
        %scan3A_146 = arith.constant 0 : i32
        %scan3A_147 = arith.constant 0 : i32
        %scan3A_148 = arith.constant 40 : i32
        %scan3A_149 = arith.addi %scan3A_147, %scan3A_148 : i32
        %scan3A_150 = arith.constant 1 : i32
        scf.for %scan3A_152 = %scan3A_147 to %scan3A_149 step %scan3A_150  : i32 {
          %add3A_153 = arith.addi %mul3A_128, %scan3A_152 : i32
          %mul3A_154 = arith.constant 16 : i32
          %mul3A_155 = arith.muli %add3A_153, %mul3A_154 : i32
          %add3A_156 = arith.addi %min3A_3, %mul3A_155 : i32
          %mul3A_157 = arith.constant 16 : i32
          %mul3A_158 = arith.muli %add3A_153, %mul3A_157 : i32
          %get3A_159 = arith.constant 1 : i32
          %get3A_160 = arith.index_cast %get3A_159 : i32 to index
          %get3A_161 = arith.index_cast %mul3A_158 : i32 to index
          %get3A_162 = tpu.vector_load %arg12[%get3A_160, %get3A_161] {strides = array<i32>} : memref<2x10240xi32, #tpu.memory_space<vmem>>, vector<16xi32>,
          %eq3A = arith.cmpi eq, %get3A_162, %get3A_91 : vector<16xi32>
          %add3A_163 = vector.broadcast %add3A_156 : i32 to vector<16xi32>
          %add3A_164 = arith.addi %add3A_163, %iota3A : vector<16xi32>
          %ge3A = vector.broadcast %mul3A_2 : i32 to vector<16xi32>
          %ge3A_165 = arith.cmpi sge, %add3A_164, %ge3A : vector<16xi32>
          %and3A = arith.andi %eq3A, %ge3A_165 : vector<16xi1>
          %reduce_or3A = arith.constant 1.000000e+00 : f32
          %reduce_or3A_166 = arith.constant 0.000000e+00 : f32
          %reduce_or3A_167 = vector.broadcast %reduce_or3A : f32 to vector<16xf32>
          %reduce_or3A_168 = vector.broadcast %reduce_or3A_166 : f32 to vector<16xf32>
          %reduce_or3A_169 = arith.select %and3A, %reduce_or3A_167, %reduce_or3A_168 : vector<16xi1>, vector<16xf32>
          %reduce_or3A_170 = arith.constant true
          %reduce_or3A_171 = vector.broadcast %reduce_or3A_170 : i1 to vector<16xi1>
          %reduce_or3A_172 = tpu.scan <max>, %reduce_or3A_169 masked %reduce_or3A_171 : vector<16xf32>, vector<16xi1> -> vector<16xf32>
          %reduce_or3A_173 = vector.extract %reduce_or3A_172[15] : f32 from vector<16xf32>
          %reduce_or3A_174 = arith.constant 0.000000e+00 : f32
          %reduce_or3A_175 = arith.cmpf ogt, %reduce_or3A_173, %reduce_or3A_174 : f32
          %convert_element_type3A_176 = arith.extui %reduce_or3A_175 : i1 to i32
          %cond3A_177 = arith.constant 0 : i32
          %cond3A_178 = arith.cmpi ne, %convert_element_type3A_176, %cond3A_177 : i32
          scf.if %cond3A_178 {
            %add3A_179 = vector.broadcast %add3A_156 : i32 to vector<16xi32>
            %add3A_180 = arith.addi %add3A_179, %iota3A : vector<16xi32>
            %swap3A_181 = arith.constant 0 : index
            %swap3A_182 = tpu.vector_load %arg15[%swap3A_181] {strides = array<i32>} : memref<16xi32, #tpu.memory_space<vmem>>, vector<16xi32>,
            tpu.vector_store %arg15[%swap3A_181], %add3A_180 {strides = array<i32>} : memref<16xi32, #tpu.memory_space<vmem>>, vector<16xi32>,
            %dma_start3A_183 = arith.constant 0 : i32
            %dma_start3A_184 = tpu.memref_slice %arg3[%dma_start3A_183] : memref<320000xi32, #tpu.memory_space<hbm>> -> memref<320000xi32, #tpu.memory_space<hbm>>
            tpu.enqueue_indirect_dma source(%dma_start3A_184 : memref<320000xi32, #tpu.memory_space<hbm>>) target(%arg17 : memref<16xi32, #tpu.memory_space<vmem>>) offsets(%arg15 : memref<16xi32, #tpu.memory_space<vmem>>) semaphore(%arg25 : memref<!tpu.dma_semaphore, #tpu.memory_space<semaphore_mem>>)
            %dma_start3A_185 = arith.constant 0 : i32
            %dma_start3A_186 = tpu.memref_slice %arg4[%dma_start3A_185] : memref<320000xi32, #tpu.memory_space<hbm>> -> memref<320000xi32, #tpu.memory_space<hbm>>
            tpu.enqueue_indirect_dma source(%dma_start3A_186 : memref<320000xi32, #tpu.memory_space<hbm>>) target(%arg18 : memref<16xi32, #tpu.memory_space<vmem>>) offsets(%arg15 : memref<16xi32, #tpu.memory_space<vmem>>) semaphore(%arg26 : memref<!tpu.dma_semaphore, #tpu.memory_space<semaphore_mem>>)
            %mul3A_187 = arith.constant 16 : i32
            %mul3A_188 = arith.muli %add3A_153, %mul3A_187 : i32
            %get3A_189 = arith.constant 0 : i32
            %get3A_190 = arith.index_cast %get3A_189 : i32 to index
            %get3A_191 = arith.index_cast %mul3A_188 : i32 to index
            %get3A_192 = tpu.vector_load %arg12[%get3A_190, %get3A_191] {strides = array<i32>} : memref<2x10240xi32, #tpu.memory_space<vmem>>, vector<16xi32>,
            %swap3A_193 = arith.constant 0 : index
            %swap3A_194 = tpu.vector_load %arg16[%swap3A_193] {strides = array<i32>} : memref<16xi32, #tpu.memory_space<vmem>>, vector<16xi32>,
            tpu.vector_store %arg16[%swap3A_193], %get3A_192 {strides = array<i32>} : memref<16xi32, #tpu.memory_space<vmem>>, vector<16xi32>,
            %dma_wait3A_195 = arith.constant 0 : i32
            %dma_wait3A_196 = tpu.memref_slice %arg3[%dma_wait3A_195] : memref<320000xi32, #tpu.memory_space<hbm>> -> memref<320000xi32, #tpu.memory_space<hbm>>
            tpu.wait_indirect_dma semaphore(%arg25 : memref<!tpu.dma_semaphore, #tpu.memory_space<semaphore_mem>>) src(%dma_wait3A_196 : memref<320000xi32, #tpu.memory_space<hbm>>) dst(%arg17 : memref<16xi32, #tpu.memory_space<vmem>>)
            %dma_wait3A_197 = arith.constant 0 : i32
            %dma_wait3A_198 = tpu.memref_slice %arg4[%dma_wait3A_197] : memref<320000xi32, #tpu.memory_space<hbm>> -> memref<320000xi32, #tpu.memory_space<hbm>>
            tpu.wait_indirect_dma semaphore(%arg26 : memref<!tpu.dma_semaphore, #tpu.memory_space<semaphore_mem>>) src(%dma_wait3A_198 : memref<320000xi32, #tpu.memory_space<hbm>>) dst(%arg18 : memref<16xi32, #tpu.memory_space<vmem>>)
            %dma_start3A_199 = arith.constant 0 : i32
            %dma_start3A_200 = tpu.memref_slice %arg7[%dma_start3A_199] : memref<95890xi32, #tpu.memory_space<hbm>> -> memref<95890xi32, #tpu.memory_space<hbm>>
            tpu.enqueue_indirect_dma source(%dma_start3A_200 : memref<95890xi32, #tpu.memory_space<hbm>>) target(%arg19 : memref<16xi32, #tpu.memory_space<vmem>>) offsets(%arg16 : memref<16xi32, #tpu.memory_space<vmem>>) semaphore(%arg27 : memref<!tpu.dma_semaphore, #tpu.memory_space<semaphore_mem>>)
            %dma_start3A_201 = arith.constant 0 : i32
            %dma_start3A_202 = arith.constant 0 : i32
            %dma_start3A_203 = tpu.memref_slice %arg9[%dma_start3A_201, %dma_start3A_202] : memref<200x128xf32, #tpu.memory_space<hbm>> -> memref<200x128xf32, #tpu.memory_space<hbm>>
            tpu.enqueue_indirect_dma source(%dma_start3A_203 : memref<200x128xf32, #tpu.memory_space<hbm>>) target(%arg21 : memref<16x128xf32, #tpu.memory_space<vmem>>) offsets(%arg18 : memref<16xi32, #tpu.memory_space<vmem>>) semaphore(%arg29 : memref<!tpu.dma_semaphore, #tpu.memory_space<semaphore_mem>>)
            %dma_wait3A_204 = arith.constant 0 : i32
            %dma_wait3A_205 = tpu.memref_slice %arg7[%dma_wait3A_204] : memref<95890xi32, #tpu.memory_space<hbm>> -> memref<95890xi32, #tpu.memory_space<hbm>>
            tpu.wait_indirect_dma semaphore(%arg27 : memref<!tpu.dma_semaphore, #tpu.memory_space<semaphore_mem>>) src(%dma_wait3A_205 : memref<95890xi32, #tpu.memory_space<hbm>>) dst(%arg19 : memref<16xi32, #tpu.memory_space<vmem>>)
            %dma_start3A_206 = arith.constant 0 : i32
            %dma_start3A_207 = arith.constant 0 : i32
            %dma_start3A_208 = tpu.memref_slice %arg8[%dma_start3A_206, %dma_start3A_207] : memref<100000x128xf32, #tpu.memory_space<hbm>> -> memref<100000x128xf32, #tpu.memory_space<hbm>>
            tpu.enqueue_indirect_dma source(%dma_start3A_208 : memref<100000x128xf32, #tpu.memory_space<hbm>>) target(%arg20 : memref<16x128xf32, #tpu.memory_space<vmem>>) offsets(%arg19 : memref<16xi32, #tpu.memory_space<vmem>>) semaphore(%arg28 : memref<!tpu.dma_semaphore, #tpu.memory_space<semaphore_mem>>)
            %get3A_209 = arith.constant 0 : index
            %get3A_210 = tpu.vector_load %arg17[%get3A_209] {strides = array<i32>} : memref<16xi32, #tpu.memory_space<vmem>>, vector<16xi32>,
            %jit3A = arith.constant 1.000000e+00 : f32
            %jit3A_211 = arith.constant 0.000000e+00 : f32
            %broadcast_in_dim3A_212 = vector.broadcast %jit3A : f32 to vector<16xf32>
            %broadcast_in_dim3A_213 = vector.broadcast %jit3A_211 : f32 to vector<16xf32>
            %select_n3A = arith.select %and3A, %broadcast_in_dim3A_212, %broadcast_in_dim3A_213 : vector<16xi1>, vector<16xf32>
            %mul3A_214 = arith.constant 2 : i32
            %mul3A_215 = vector.broadcast %mul3A_214 : i32 to vector<16xi32>
            %mul3A_216 = arith.muli %get3A_210, %mul3A_215 : vector<16xi32>
            %gather3A = arith.constant 0 : i32
            %gather3A_217 = tpu.memref_slice %arg13[%gather3A] : memref<800xf32, #tpu.memory_space<vmem>> -> memref<800xf32, #tpu.memory_space<vmem>>
            %gather3A_218 = tpu.vector_load_idx %gather3A_217[%mul3A_216] : memref<800xf32, #tpu.memory_space<vmem>>[vector<16xi32>], vector<16xf32>,
            %mul3A_219 = arith.mulf %gather3A_218, %select_n3A : vector<16xf32>
            %mul3A_220 = arith.constant 2 : i32
            %mul3A_221 = vector.broadcast %mul3A_220 : i32 to vector<16xi32>
            %mul3A_222 = arith.muli %get3A_210, %mul3A_221 : vector<16xi32>
            %add3A_223 = arith.constant 1 : i32
            %add3A_224 = vector.broadcast %add3A_223 : i32 to vector<16xi32>
            %add3A_225 = arith.addi %mul3A_222, %add3A_224 : vector<16xi32>
            %gather3A_226 = arith.constant 0 : i32
            %gather3A_227 = tpu.memref_slice %arg13[%gather3A_226] : memref<800xf32, #tpu.memory_space<vmem>> -> memref<800xf32, #tpu.memory_space<vmem>>
            %gather3A_228 = tpu.vector_load_idx %gather3A_227[%add3A_225] : memref<800xf32, #tpu.memory_space<vmem>>[vector<16xi32>], vector<16xf32>,
            %mul3A_229 = arith.mulf %gather3A_228, %select_n3A : vector<16xf32>
            %get3A_230 = arith.constant 0 : index
            %get3A_231 = tpu.vector_load %arg23[%get3A_230] {strides = array<i32>} : memref<16xf32, #tpu.memory_space<vmem>>, vector<16xf32>,
            %add3A_232 = arith.addf %get3A_231, %select_n3A : vector<16xf32>
            %swap3A_233 = arith.constant 0 : index
            %swap3A_234 = tpu.vector_load %arg23[%swap3A_233] {strides = array<i32>} : memref<16xf32, #tpu.memory_space<vmem>>, vector<16xf32>,
            tpu.vector_store %arg23[%swap3A_233], %add3A_232 {strides = array<i32>} : memref<16xf32, #tpu.memory_space<vmem>>, vector<16xf32>,
            %dma_wait3A_235 = arith.constant 0 : i32
            %dma_wait3A_236 = arith.constant 0 : i32
            %dma_wait3A_237 = tpu.memref_slice %arg9[%dma_wait3A_235, %dma_wait3A_236] : memref<200x128xf32, #tpu.memory_space<hbm>> -> memref<200x128xf32, #tpu.memory_space<hbm>>
            tpu.wait_indirect_dma semaphore(%arg29 : memref<!tpu.dma_semaphore, #tpu.memory_space<semaphore_mem>>) src(%dma_wait3A_237 : memref<200x128xf32, #tpu.memory_space<hbm>>) dst(%arg21 : memref<16x128xf32, #tpu.memory_space<vmem>>)
            %dma_wait3A_238 = arith.constant 0 : i32
            %dma_wait3A_239 = arith.constant 0 : i32
            %dma_wait3A_240 = tpu.memref_slice %arg8[%dma_wait3A_238, %dma_wait3A_239] : memref<100000x128xf32, #tpu.memory_space<hbm>> -> memref<100000x128xf32, #tpu.memory_space<hbm>>
            tpu.wait_indirect_dma semaphore(%arg28 : memref<!tpu.dma_semaphore, #tpu.memory_space<semaphore_mem>>) src(%dma_wait3A_240 : memref<100000x128xf32, #tpu.memory_space<hbm>>) dst(%arg20 : memref<16x128xf32, #tpu.memory_space<vmem>>)
            %scan3A_241 = arith.constant 0 : i32
            %scan3A_242 = arith.constant 0 : i32
            %scan3A_243 = arith.constant 16 : i32
            %scan3A_244 = arith.addi %scan3A_242, %scan3A_243 : i32
            %scan3A_245 = arith.constant 1 : i32
            scf.for %scan3A_247 = %scan3A_242 to %scan3A_244 step %scan3A_245  : i32 {
              %broadcast_in_dim3A_248 = vector.broadcast %scan3A_247 : i32 to vector<16xi32>
              %lt3A = arith.constant 0 : i32
              %lt3A_249 = vector.broadcast %lt3A : i32 to vector<16xi32>
              %lt3A_250 = arith.cmpi slt, %broadcast_in_dim3A_248, %lt3A_249 : vector<16xi32>
              %add3A_251 = arith.constant 16 : i32
              %add3A_252 = vector.broadcast %add3A_251 : i32 to vector<16xi32>
              %add3A_253 = arith.addi %broadcast_in_dim3A_248, %add3A_252 : vector<16xi32>
              %select_n3A_254 = arith.select %lt3A_250, %add3A_253, %broadcast_in_dim3A_248 : vector<16xi1>, vector<16xi32>
              %broadcast_in_dim3A_255 = vector.shape_cast %select_n3A_254 : vector<16xi32> to vector<16x1xi32>
              %gather3A_256 = vector.shape_cast %broadcast_in_dim3A_255 : vector<16x1xi32> to vector<16xi32>
              %gather3A_257 = tpu.dynamic_gather %mul3A_219[%gather3A_256] in [0] : vector<16xf32>, vector<16xi32> -> vector<16xf32>
              %lt3A_258 = arith.constant 0 : i32
              %lt3A_259 = vector.broadcast %lt3A_258 : i32 to vector<16xi32>
              %lt3A_260 = arith.cmpi slt, %broadcast_in_dim3A_248, %lt3A_259 : vector<16xi32>
              %add3A_261 = arith.constant 16 : i32
              %add3A_262 = vector.broadcast %add3A_261 : i32 to vector<16xi32>
              %add3A_263 = arith.addi %broadcast_in_dim3A_248, %add3A_262 : vector<16xi32>
              %select_n3A_264 = arith.select %lt3A_260, %add3A_263, %broadcast_in_dim3A_248 : vector<16xi1>, vector<16xi32>
              %broadcast_in_dim3A_265 = vector.shape_cast %select_n3A_264 : vector<16xi32> to vector<16x1xi32>
              %gather3A_266 = vector.shape_cast %broadcast_in_dim3A_265 : vector<16x1xi32> to vector<16xi32>
              %gather3A_267 = tpu.dynamic_gather %mul3A_229[%gather3A_266] in [0] : vector<16xf32>, vector<16xi32> -> vector<16xf32>
              %get3A_268 = arith.index_cast %scan3A_247 : i32 to index
              %get3A_269 = arith.constant 0 : index
              %get3A_270 = tpu.vector_load %arg20[%get3A_268, %get3A_269] {strides = array<i32>} : memref<16x128xf32, #tpu.memory_space<vmem>>, vector<16xf32>,
              %get3A_271 = arith.index_cast %scan3A_247 : i32 to index
              %get3A_272 = arith.constant 0 : index
              %get3A_273 = tpu.vector_load %arg21[%get3A_271, %get3A_272] {strides = array<i32>} : memref<16x128xf32, #tpu.memory_space<vmem>>, vector<16xf32>,
              %get3A_274 = arith.constant 0 : index
              %get3A_275 = tpu.vector_load %arg22[%get3A_274] {strides = array<i32>} : memref<512xf32, #tpu.memory_space<vmem>>, vector<16xf32>,
              %mul3A_276 = arith.mulf %gather3A_257, %get3A_270 : vector<16xf32>
              %add3A_277 = arith.addf %get3A_275, %mul3A_276 : vector<16xf32>
              %swap3A_278 = arith.constant 0 : index
              %swap3A_279 = tpu.vector_load %arg22[%swap3A_278] {strides = array<i32>} : memref<512xf32, #tpu.memory_space<vmem>>, vector<16xf32>,
              tpu.vector_store %arg22[%swap3A_278], %add3A_277 {strides = array<i32>} : memref<512xf32, #tpu.memory_space<vmem>>, vector<16xf32>,
              %get3A_280 = arith.constant 128 : index
              %get3A_281 = tpu.vector_load %arg22[%get3A_280] {strides = array<i32>} : memref<512xf32, #tpu.memory_space<vmem>>, vector<16xf32>,
              %mul3A_282 = arith.mulf %gather3A_257, %get3A_273 : vector<16xf32>
              %add3A_283 = arith.addf %get3A_281, %mul3A_282 : vector<16xf32>
              %swap3A_284 = arith.constant 128 : index
              %swap3A_285 = tpu.vector_load %arg22[%swap3A_284] {strides = array<i32>} : memref<512xf32, #tpu.memory_space<vmem>>, vector<16xf32>,
              tpu.vector_store %arg22[%swap3A_284], %add3A_283 {strides = array<i32>} : memref<512xf32, #tpu.memory_space<vmem>>, vector<16xf32>,
              %get3A_286 = arith.constant 256 : index
              %get3A_287 = tpu.vector_load %arg22[%get3A_286] {strides = array<i32>} : memref<512xf32, #tpu.memory_space<vmem>>, vector<16xf32>,
              %mul3A_288 = arith.mulf %gather3A_267, %get3A_270 : vector<16xf32>
              %add3A_289 = arith.addf %get3A_287, %mul3A_288 : vector<16xf32>
              %swap3A_290 = arith.constant 256 : index
              %swap3A_291 = tpu.vector_load %arg22[%swap3A_290] {strides = array<i32>} : memref<512xf32, #tpu.memory_space<vmem>>, vector<16xf32>,
              tpu.vector_store %arg22[%swap3A_290], %add3A_289 {strides = array<i32>} : memref<512xf32, #tpu.memory_space<vmem>>, vector<16xf32>,
              %get3A_292 = arith.constant 384 : index
              %get3A_293 = tpu.vector_load %arg22[%get3A_292] {strides = array<i32>} : memref<512xf32, #tpu.memory_space<vmem>>, vector<16xf32>,
              %mul3A_294 = arith.mulf %gather3A_267, %get3A_273 : vector<16xf32>
              %add3A_295 = arith.addf %get3A_293, %mul3A_294 : vector<16xf32>
              %swap3A_296 = arith.constant 384 : index
              %swap3A_297 = tpu.vector_load %arg22[%swap3A_296] {strides = array<i32>} : memref<512xf32, #tpu.memory_space<vmem>>, vector<16xf32>,
              tpu.vector_store %arg22[%swap3A_296], %add3A_295 {strides = array<i32>} : memref<512xf32, #tpu.memory_space<vmem>>, vector<16xf32>,
              %get3A_298 = arith.index_cast %scan3A_247 : i32 to index
              %get3A_299 = arith.constant 16 : index
              %get3A_300 = tpu.vector_load %arg20[%get3A_298, %get3A_299] {strides = array<i32>} : memref<16x128xf32, #tpu.memory_space<vmem>>, vector<16xf32>,
              %get3A_301 = arith.index_cast %scan3A_247 : i32 to index
              %get3A_302 = arith.constant 16 : index
              %get3A_303 = tpu.vector_load %arg21[%get3A_301, %get3A_302] {strides = array<i32>} : memref<16x128xf32, #tpu.memory_space<vmem>>, vector<16xf32>,
              %get3A_304 = arith.constant 16 : index
              %get3A_305 = tpu.vector_load %arg22[%get3A_304] {strides = array<i32>} : memref<512xf32, #tpu.memory_space<vmem>>, vector<16xf32>,
              %mul3A_306 = arith.mulf %gather3A_257, %get3A_300 : vector<16xf32>
              %add3A_307 = arith.addf %get3A_305, %mul3A_306 : vector<16xf32>
              %swap3A_308 = arith.constant 16 : index
              %swap3A_309 = tpu.vector_load %arg22[%swap3A_308] {strides = array<i32>} : memref<512xf32, #tpu.memory_space<vmem>>, vector<16xf32>,
              tpu.vector_store %arg22[%swap3A_308], %add3A_307 {strides = array<i32>} : memref<512xf32, #tpu.memory_space<vmem>>, vector<16xf32>,
              %get3A_310 = arith.constant 144 : index
              %get3A_311 = tpu.vector_load %arg22[%get3A_310] {strides = array<i32>} : memref<512xf32, #tpu.memory_space<vmem>>, vector<16xf32>,
              %mul3A_312 = arith.mulf %gather3A_257, %get3A_303 : vector<16xf32>
              %add3A_313 = arith.addf %get3A_311, %mul3A_312 : vector<16xf32>
              %swap3A_314 = arith.constant 144 : index
              %swap3A_315 = tpu.vector_load %arg22[%swap3A_314] {strides = array<i32>} : memref<512xf32, #tpu.memory_space<vmem>>, vector<16xf32>,
              tpu.vector_store %arg22[%swap3A_314], %add3A_313 {strides = array<i32>} : memref<512xf32, #tpu.memory_space<vmem>>, vector<16xf32>,
              %get3A_316 = arith.constant 272 : index
              %get3A_317 = tpu.vector_load %arg22[%get3A_316] {strides = array<i32>} : memref<512xf32, #tpu.memory_space<vmem>>, vector<16xf32>,
              %mul3A_318 = arith.mulf %gather3A_267, %get3A_300 : vector<16xf32>
              %add3A_319 = arith.addf %get3A_317, %mul3A_318 : vector<16xf32>
              %swap3A_320 = arith.constant 272 : index
              %swap3A_321 = tpu.vector_load %arg22[%swap3A_320] {strides = array<i32>} : memref<512xf32, #tpu.memory_space<vmem>>, vector<16xf32>,
              tpu.vector_store %arg22[%swap3A_320], %add3A_319 {strides = array<i32>} : memref<512xf32, #tpu.memory_space<vmem>>, vector<16xf32>,
              %get3A_322 = arith.constant 400 : index
              %get3A_323 = tpu.vector_load %arg22[%get3A_322] {strides = array<i32>} : memref<512xf32, #tpu.memory_space<vmem>>, vector<16xf32>,
              %mul3A_324 = arith.mulf %gather3A_267, %get3A_303 : vector<16xf32>
              %add3A_325 = arith.addf %get3A_323, %mul3A_324 : vector<16xf32>
              %swap3A_326 = arith.constant 400 : index
              %swap3A_327 = tpu.vector_load %arg22[%swap3A_326] {strides = array<i32>} : memref<512xf32, #tpu.memory_space<vmem>>, vector<16xf32>,
              tpu.vector_store %arg22[%swap3A_326], %add3A_325 {strides = array<i32>} : memref<512xf32, #tpu.memory_space<vmem>>, vector<16xf32>,
              %get3A_328 = arith.index_cast %scan3A_247 : i32 to index
              %get3A_329 = arith.constant 32 : index
              %get3A_330 = tpu.vector_load %arg20[%get3A_328, %get3A_329] {strides = array<i32>} : memref<16x128xf32, #tpu.memory_space<vmem>>, vector<16xf32>,
              %get3A_331 = arith.index_cast %scan3A_247 : i32 to index
              %get3A_332 = arith.constant 32 : index
              %get3A_333 = tpu.vector_load %arg21[%get3A_331, %get3A_332] {strides = array<i32>} : memref<16x128xf32, #tpu.memory_space<vmem>>, vector<16xf32>,
              %get3A_334 = arith.constant 32 : index
              %get3A_335 = tpu.vector_load %arg22[%get3A_334] {strides = array<i32>} : memref<512xf32, #tpu.memory_space<vmem>>, vector<16xf32>,
              %mul3A_336 = arith.mulf %gather3A_257, %get3A_330 : vector<16xf32>
              %add3A_337 = arith.addf %get3A_335, %mul3A_336 : vector<16xf32>
              %swap3A_338 = arith.constant 32 : index
              %swap3A_339 = tpu.vector_load %arg22[%swap3A_338] {strides = array<i32>} : memref<512xf32, #tpu.memory_space<vmem>>, vector<16xf32>,
              tpu.vector_store %arg22[%swap3A_338], %add3A_337 {strides = array<i32>} : memref<512xf32, #tpu.memory_space<vmem>>, vector<16xf32>,
              %get3A_340 = arith.constant 160 : index
              %get3A_341 = tpu.vector_load %arg22[%get3A_340] {strides = array<i32>} : memref<512xf32, #tpu.memory_space<vmem>>, vector<16xf32>,
              %mul3A_342 = arith.mulf %gather3A_257, %get3A_333 : vector<16xf32>
              %add3A_343 = arith.addf %get3A_341, %mul3A_342 : vector<16xf32>
              %swap3A_344 = arith.constant 160 : index
              %swap3A_345 = tpu.vector_load %arg22[%swap3A_344] {strides = array<i32>} : memref<512xf32, #tpu.memory_space<vmem>>, vector<16xf32>,
              tpu.vector_store %arg22[%swap3A_344], %add3A_343 {strides = array<i32>} : memref<512xf32, #tpu.memory_space<vmem>>, vector<16xf32>,
              %get3A_346 = arith.constant 288 : index
              %get3A_347 = tpu.vector_load %arg22[%get3A_346] {strides = array<i32>} : memref<512xf32, #tpu.memory_space<vmem>>, vector<16xf32>,
              %mul3A_348 = arith.mulf %gather3A_267, %get3A_330 : vector<16xf32>
              %add3A_349 = arith.addf %get3A_347, %mul3A_348 : vector<16xf32>
              %swap3A_350 = arith.constant 288 : index
              %swap3A_351 = tpu.vector_load %arg22[%swap3A_350] {strides = array<i32>} : memref<512xf32, #tpu.memory_space<vmem>>, vector<16xf32>,
              tpu.vector_store %arg22[%swap3A_350], %add3A_349 {strides = array<i32>} : memref<512xf32, #tpu.memory_space<vmem>>, vector<16xf32>,
              %get3A_352 = arith.constant 416 : index
              %get3A_353 = tpu.vector_load %arg22[%get3A_352] {strides = array<i32>} : memref<512xf32, #tpu.memory_space<vmem>>, vector<16xf32>,
              %mul3A_354 = arith.mulf %gather3A_267, %get3A_333 : vector<16xf32>
              %add3A_355 = arith.addf %get3A_353, %mul3A_354 : vector<16xf32>
              %swap3A_356 = arith.constant 416 : index
              %swap3A_357 = tpu.vector_load %arg22[%swap3A_356] {strides = array<i32>} : memref<512xf32, #tpu.memory_space<vmem>>, vector<16xf32>,
              tpu.vector_store %arg22[%swap3A_356], %add3A_355 {strides = array<i32>} : memref<512xf32, #tpu.memory_space<vmem>>, vector<16xf32>,
              %get3A_358 = arith.index_cast %scan3A_247 : i32 to index
              %get3A_359 = arith.constant 48 : index
              %get3A_360 = tpu.vector_load %arg20[%get3A_358, %get3A_359] {strides = array<i32>} : memref<16x128xf32, #tpu.memory_space<vmem>>, vector<16xf32>,
              %get3A_361 = arith.index_cast %scan3A_247 : i32 to index
              %get3A_362 = arith.constant 48 : index
              %get3A_363 = tpu.vector_load %arg21[%get3A_361, %get3A_362] {strides = array<i32>} : memref<16x128xf32, #tpu.memory_space<vmem>>, vector<16xf32>,
              %get3A_364 = arith.constant 48 : index
              %get3A_365 = tpu.vector_load %arg22[%get3A_364] {strides = array<i32>} : memref<512xf32, #tpu.memory_space<vmem>>, vector<16xf32>,
              %mul3A_366 = arith.mulf %gather3A_257, %get3A_360 : vector<16xf32>
              %add3A_367 = arith.addf %get3A_365, %mul3A_366 : vector<16xf32>
              %swap3A_368 = arith.constant 48 : index
              %swap3A_369 = tpu.vector_load %arg22[%swap3A_368] {strides = array<i32>} : memref<512xf32, #tpu.memory_space<vmem>>, vector<16xf32>,
              tpu.vector_store %arg22[%swap3A_368], %add3A_367 {strides = array<i32>} : memref<512xf32, #tpu.memory_space<vmem>>, vector<16xf32>,
              %get3A_370 = arith.constant 176 : index
              %get3A_371 = tpu.vector_load %arg22[%get3A_370] {strides = array<i32>} : memref<512xf32, #tpu.memory_space<vmem>>, vector<16xf32>,
              %mul3A_372 = arith.mulf %gather3A_257, %get3A_363 : vector<16xf32>
              %add3A_373 = arith.addf %get3A_371, %mul3A_372 : vector<16xf32>
              %swap3A_374 = arith.constant 176 : index
              %swap3A_375 = tpu.vector_load %arg22[%swap3A_374] {strides = array<i32>} : memref<512xf32, #tpu.memory_space<vmem>>, vector<16xf32>,
              tpu.vector_store %arg22[%swap3A_374], %add3A_373 {strides = array<i32>} : memref<512xf32, #tpu.memory_space<vmem>>, vector<16xf32>,
              %get3A_376 = arith.constant 304 : index
              %get3A_377 = tpu.vector_load %arg22[%get3A_376] {strides = array<i32>} : memref<512xf32, #tpu.memory_space<vmem>>, vector<16xf32>,
              %mul3A_378 = arith.mulf %gather3A_267, %get3A_360 : vector<16xf32>
              %add3A_379 = arith.addf %get3A_377, %mul3A_378 : vector<16xf32>
              %swap3A_380 = arith.constant 304 : index
              %swap3A_381 = tpu.vector_load %arg22[%swap3A_380] {strides = array<i32>} : memref<512xf32, #tpu.memory_space<vmem>>, vector<16xf32>,
              tpu.vector_store %arg22[%swap3A_380], %add3A_379 {strides = array<i32>} : memref<512xf32, #tpu.memory_space<vmem>>, vector<16xf32>,
              %get3A_382 = arith.constant 432 : index
              %get3A_383 = tpu.vector_load %arg22[%get3A_382] {strides = array<i32>} : memref<512xf32, #tpu.memory_space<vmem>>, vector<16xf32>,
              %mul3A_384 = arith.mulf %gather3A_267, %get3A_363 : vector<16xf32>
              %add3A_385 = arith.addf %get3A_383, %mul3A_384 : vector<16xf32>
              %swap3A_386 = arith.constant 432 : index
              %swap3A_387 = tpu.vector_load %arg22[%swap3A_386] {strides = array<i32>} : memref<512xf32, #tpu.memory_space<vmem>>, vector<16xf32>,
              tpu.vector_store %arg22[%swap3A_386], %add3A_385 {strides = array<i32>} : memref<512xf32, #tpu.memory_space<vmem>>, vector<16xf32>,
              %get3A_388 = arith.index_cast %scan3A_247 : i32 to index
              %get3A_389 = arith.constant 64 : index
              %get3A_390 = tpu.vector_load %arg20[%get3A_388, %get3A_389] {strides = array<i32>} : memref<16x128xf32, #tpu.memory_space<vmem>>, vector<16xf32>,
              %get3A_391 = arith.index_cast %scan3A_247 : i32 to index
              %get3A_392 = arith.constant 64 : index
              %get3A_393 = tpu.vector_load %arg21[%get3A_391, %get3A_392] {strides = array<i32>} : memref<16x128xf32, #tpu.memory_space<vmem>>, vector<16xf32>,
              %get3A_394 = arith.constant 64 : index
              %get3A_395 = tpu.vector_load %arg22[%get3A_394] {strides = array<i32>} : memref<512xf32, #tpu.memory_space<vmem>>, vector<16xf32>,
              %mul3A_396 = arith.mulf %gather3A_257, %get3A_390 : vector<16xf32>
              %add3A_397 = arith.addf %get3A_395, %mul3A_396 : vector<16xf32>
              %swap3A_398 = arith.constant 64 : index
              %swap3A_399 = tpu.vector_load %arg22[%swap3A_398] {strides = array<i32>} : memref<512xf32, #tpu.memory_space<vmem>>, vector<16xf32>,
              tpu.vector_store %arg22[%swap3A_398], %add3A_397 {strides = array<i32>} : memref<512xf32, #tpu.memory_space<vmem>>, vector<16xf32>,
              %get3A_400 = arith.constant 192 : index
              %get3A_401 = tpu.vector_load %arg22[%get3A_400] {strides = array<i32>} : memref<512xf32, #tpu.memory_space<vmem>>, vector<16xf32>,
              %mul3A_402 = arith.mulf %gather3A_257, %get3A_393 : vector<16xf32>
              %add3A_403 = arith.addf %get3A_401, %mul3A_402 : vector<16xf32>
              %swap3A_404 = arith.constant 192 : index
              %swap3A_405 = tpu.vector_load %arg22[%swap3A_404] {strides = array<i32>} : memref<512xf32, #tpu.memory_space<vmem>>, vector<16xf32>,
              tpu.vector_store %arg22[%swap3A_404], %add3A_403 {strides = array<i32>} : memref<512xf32, #tpu.memory_space<vmem>>, vector<16xf32>,
              %get3A_406 = arith.constant 320 : index
              %get3A_407 = tpu.vector_load %arg22[%get3A_406] {strides = array<i32>} : memref<512xf32, #tpu.memory_space<vmem>>, vector<16xf32>,
              %mul3A_408 = arith.mulf %gather3A_267, %get3A_390 : vector<16xf32>
              %add3A_409 = arith.addf %get3A_407, %mul3A_408 : vector<16xf32>
              %swap3A_410 = arith.constant 320 : index
              %swap3A_411 = tpu.vector_load %arg22[%swap3A_410] {strides = array<i32>} : memref<512xf32, #tpu.memory_space<vmem>>, vector<16xf32>,
              tpu.vector_store %arg22[%swap3A_410], %add3A_409 {strides = array<i32>} : memref<512xf32, #tpu.memory_space<vmem>>, vector<16xf32>,
              %get3A_412 = arith.constant 448 : index
              %get3A_413 = tpu.vector_load %arg22[%get3A_412] {strides = array<i32>} : memref<512xf32, #tpu.memory_space<vmem>>, vector<16xf32>,
              %mul3A_414 = arith.mulf %gather3A_267, %get3A_393 : vector<16xf32>
              %add3A_415 = arith.addf %get3A_413, %mul3A_414 : vector<16xf32>
              %swap3A_416 = arith.constant 448 : index
              %swap3A_417 = tpu.vector_load %arg22[%swap3A_416] {strides = array<i32>} : memref<512xf32, #tpu.memory_space<vmem>>, vector<16xf32>,
              tpu.vector_store %arg22[%swap3A_416], %add3A_415 {strides = array<i32>} : memref<512xf32, #tpu.memory_space<vmem>>, vector<16xf32>,
              %get3A_418 = arith.index_cast %scan3A_247 : i32 to index
              %get3A_419 = arith.constant 80 : index
              %get3A_420 = tpu.vector_load %arg20[%get3A_418, %get3A_419] {strides = array<i32>} : memref<16x128xf32, #tpu.memory_space<vmem>>, vector<16xf32>,
              %get3A_421 = arith.index_cast %scan3A_247 : i32 to index
              %get3A_422 = arith.constant 80 : index
              %get3A_423 = tpu.vector_load %arg21[%get3A_421, %get3A_422] {strides = array<i32>} : memref<16x128xf32, #tpu.memory_space<vmem>>, vector<16xf32>,
              %get3A_424 = arith.constant 80 : index
              %get3A_425 = tpu.vector_load %arg22[%get3A_424] {strides = array<i32>} : memref<512xf32, #tpu.memory_space<vmem>>, vector<16xf32>,
              %mul3A_426 = arith.mulf %gather3A_257, %get3A_420 : vector<16xf32>
              %add3A_427 = arith.addf %get3A_425, %mul3A_426 : vector<16xf32>
              %swap3A_428 = arith.constant 80 : index
              %swap3A_429 = tpu.vector_load %arg22[%swap3A_428] {strides = array<i32>} : memref<512xf32, #tpu.memory_space<vmem>>, vector<16xf32>,
              tpu.vector_store %arg22[%swap3A_428], %add3A_427 {strides = array<i32>} : memref<512xf32, #tpu.memory_space<vmem>>, vector<16xf32>,
              %get3A_430 = arith.constant 208 : index
              %get3A_431 = tpu.vector_load %arg22[%get3A_430] {strides = array<i32>} : memref<512xf32, #tpu.memory_space<vmem>>, vector<16xf32>,
              %mul3A_432 = arith.mulf %gather3A_257, %get3A_423 : vector<16xf32>
              %add3A_433 = arith.addf %get3A_431, %mul3A_432 : vector<16xf32>
              %swap3A_434 = arith.constant 208 : index
              %swap3A_435 = tpu.vector_load %arg22[%swap3A_434] {strides = array<i32>} : memref<512xf32, #tpu.memory_space<vmem>>, vector<16xf32>,
              tpu.vector_store %arg22[%swap3A_434], %add3A_433 {strides = array<i32>} : memref<512xf32, #tpu.memory_space<vmem>>, vector<16xf32>,
              %get3A_436 = arith.constant 336 : index
              %get3A_437 = tpu.vector_load %arg22[%get3A_436] {strides = array<i32>} : memref<512xf32, #tpu.memory_space<vmem>>, vector<16xf32>,
              %mul3A_438 = arith.mulf %gather3A_267, %get3A_420 : vector<16xf32>
              %add3A_439 = arith.addf %get3A_437, %mul3A_438 : vector<16xf32>
              %swap3A_440 = arith.constant 336 : index
              %swap3A_441 = tpu.vector_load %arg22[%swap3A_440] {strides = array<i32>} : memref<512xf32, #tpu.memory_space<vmem>>, vector<16xf32>,
              tpu.vector_store %arg22[%swap3A_440], %add3A_439 {strides = array<i32>} : memref<512xf32, #tpu.memory_space<vmem>>, vector<16xf32>,
              %get3A_442 = arith.constant 464 : index
              %get3A_443 = tpu.vector_load %arg22[%get3A_442] {strides = array<i32>} : memref<512xf32, #tpu.memory_space<vmem>>, vector<16xf32>,
              %mul3A_444 = arith.mulf %gather3A_267, %get3A_423 : vector<16xf32>
              %add3A_445 = arith.addf %get3A_443, %mul3A_444 : vector<16xf32>
              %swap3A_446 = arith.constant 464 : index
              %swap3A_447 = tpu.vector_load %arg22[%swap3A_446] {strides = array<i32>} : memref<512xf32, #tpu.memory_space<vmem>>, vector<16xf32>,
              tpu.vector_store %arg22[%swap3A_446], %add3A_445 {strides = array<i32>} : memref<512xf32, #tpu.memory_space<vmem>>, vector<16xf32>,
              %get3A_448 = arith.index_cast %scan3A_247 : i32 to index
              %get3A_449 = arith.constant 96 : index
              %get3A_450 = tpu.vector_load %arg20[%get3A_448, %get3A_449] {strides = array<i32>} : memref<16x128xf32, #tpu.memory_space<vmem>>, vector<16xf32>,
              %get3A_451 = arith.index_cast %scan3A_247 : i32 to index
              %get3A_452 = arith.constant 96 : index
              %get3A_453 = tpu.vector_load %arg21[%get3A_451, %get3A_452] {strides = array<i32>} : memref<16x128xf32, #tpu.memory_space<vmem>>, vector<16xf32>,
              %get3A_454 = arith.constant 96 : index
              %get3A_455 = tpu.vector_load %arg22[%get3A_454] {strides = array<i32>} : memref<512xf32, #tpu.memory_space<vmem>>, vector<16xf32>,
              %mul3A_456 = arith.mulf %gather3A_257, %get3A_450 : vector<16xf32>
              %add3A_457 = arith.addf %get3A_455, %mul3A_456 : vector<16xf32>
              %swap3A_458 = arith.constant 96 : index
              %swap3A_459 = tpu.vector_load %arg22[%swap3A_458] {strides = array<i32>} : memref<512xf32, #tpu.memory_space<vmem>>, vector<16xf32>,
              tpu.vector_store %arg22[%swap3A_458], %add3A_457 {strides = array<i32>} : memref<512xf32, #tpu.memory_space<vmem>>, vector<16xf32>,
              %get3A_460 = arith.constant 224 : index
              %get3A_461 = tpu.vector_load %arg22[%get3A_460] {strides = array<i32>} : memref<512xf32, #tpu.memory_space<vmem>>, vector<16xf32>,
              %mul3A_462 = arith.mulf %gather3A_257, %get3A_453 : vector<16xf32>
              %add3A_463 = arith.addf %get3A_461, %mul3A_462 : vector<16xf32>
              %swap3A_464 = arith.constant 224 : index
              %swap3A_465 = tpu.vector_load %arg22[%swap3A_464] {strides = array<i32>} : memref<512xf32, #tpu.memory_space<vmem>>, vector<16xf32>,
              tpu.vector_store %arg22[%swap3A_464], %add3A_463 {strides = array<i32>} : memref<512xf32, #tpu.memory_space<vmem>>, vector<16xf32>,
              %get3A_466 = arith.constant 352 : index
              %get3A_467 = tpu.vector_load %arg22[%get3A_466] {strides = array<i32>} : memref<512xf32, #tpu.memory_space<vmem>>, vector<16xf32>,
              %mul3A_468 = arith.mulf %gather3A_267, %get3A_450 : vector<16xf32>
              %add3A_469 = arith.addf %get3A_467, %mul3A_468 : vector<16xf32>
              %swap3A_470 = arith.constant 352 : index
              %swap3A_471 = tpu.vector_load %arg22[%swap3A_470] {strides = array<i32>} : memref<512xf32, #tpu.memory_space<vmem>>, vector<16xf32>,
              tpu.vector_store %arg22[%swap3A_470], %add3A_469 {strides = array<i32>} : memref<512xf32, #tpu.memory_space<vmem>>, vector<16xf32>,
              %get3A_472 = arith.constant 480 : index
              %get3A_473 = tpu.vector_load %arg22[%get3A_472] {strides = array<i32>} : memref<512xf32, #tpu.memory_space<vmem>>, vector<16xf32>,
              %mul3A_474 = arith.mulf %gather3A_267, %get3A_453 : vector<16xf32>
              %add3A_475 = arith.addf %get3A_473, %mul3A_474 : vector<16xf32>
              %swap3A_476 = arith.constant 480 : index
              %swap3A_477 = tpu.vector_load %arg22[%swap3A_476] {strides = array<i32>} : memref<512xf32, #tpu.memory_space<vmem>>, vector<16xf32>,
              tpu.vector_store %arg22[%swap3A_476], %add3A_475 {strides = array<i32>} : memref<512xf32, #tpu.memory_space<vmem>>, vector<16xf32>,
              %get3A_478 = arith.index_cast %scan3A_247 : i32 to index
              %get3A_479 = arith.constant 112 : index
              %get3A_480 = tpu.vector_load %arg20[%get3A_478, %get3A_479] {strides = array<i32>} : memref<16x128xf32, #tpu.memory_space<vmem>>, vector<16xf32>,
              %get3A_481 = arith.index_cast %scan3A_247 : i32 to index
              %get3A_482 = arith.constant 112 : index
              %get3A_483 = tpu.vector_load %arg21[%get3A_481, %get3A_482] {strides = array<i32>} : memref<16x128xf32, #tpu.memory_space<vmem>>, vector<16xf32>,
              %get3A_484 = arith.constant 112 : index
              %get3A_485 = tpu.vector_load %arg22[%get3A_484] {strides = array<i32>} : memref<512xf32, #tpu.memory_space<vmem>>, vector<16xf32>,
              %mul3A_486 = arith.mulf %gather3A_257, %get3A_480 : vector<16xf32>
              %add3A_487 = arith.addf %get3A_485, %mul3A_486 : vector<16xf32>
              %swap3A_488 = arith.constant 112 : index
              %swap3A_489 = tpu.vector_load %arg22[%swap3A_488] {strides = array<i32>} : memref<512xf32, #tpu.memory_space<vmem>>, vector<16xf32>,
              tpu.vector_store %arg22[%swap3A_488], %add3A_487 {strides = array<i32>} : memref<512xf32, #tpu.memory_space<vmem>>, vector<16xf32>,
              %get3A_490 = arith.constant 240 : index
              %get3A_491 = tpu.vector_load %arg22[%get3A_490] {strides = array<i32>} : memref<512xf32, #tpu.memory_space<vmem>>, vector<16xf32>,
              %mul3A_492 = arith.mulf %gather3A_257, %get3A_483 : vector<16xf32>
              %add3A_493 = arith.addf %get3A_491, %mul3A_492 : vector<16xf32>
              %swap3A_494 = arith.constant 240 : index
              %swap3A_495 = tpu.vector_load %arg22[%swap3A_494] {strides = array<i32>} : memref<512xf32, #tpu.memory_space<vmem>>, vector<16xf32>,
              tpu.vector_store %arg22[%swap3A_494], %add3A_493 {strides = array<i32>} : memref<512xf32, #tpu.memory_space<vmem>>, vector<16xf32>,
              %get3A_496 = arith.constant 368 : index
              %get3A_497 = tpu.vector_load %arg22[%get3A_496] {strides = array<i32>} : memref<512xf32, #tpu.memory_space<vmem>>, vector<16xf32>,
              %mul3A_498 = arith.mulf %gather3A_267, %get3A_480 : vector<16xf32>
              %add3A_499 = arith.addf %get3A_497, %mul3A_498 : vector<16xf32>
              %swap3A_500 = arith.constant 368 : index
              %swap3A_501 = tpu.vector_load %arg22[%swap3A_500] {strides = array<i32>} : memref<512xf32, #tpu.memory_space<vmem>>, vector<16xf32>,
              tpu.vector_store %arg22[%swap3A_500], %add3A_499 {strides = array<i32>} : memref<512xf32, #tpu.memory_space<vmem>>, vector<16xf32>,
              %get3A_502 = arith.constant 496 : index
              %get3A_503 = tpu.vector_load %arg22[%get3A_502] {strides = array<i32>} : memref<512xf32, #tpu.memory_space<vmem>>, vector<16xf32>,
              %mul3A_504 = arith.mulf %gather3A_267, %get3A_483 : vector<16xf32>
              %add3A_505 = arith.addf %get3A_503, %mul3A_504 : vector<16xf32>
              %swap3A_506 = arith.constant 496 : index
              %swap3A_507 = tpu.vector_load %arg22[%swap3A_506] {strides = array<i32>} : memref<512xf32, #tpu.memory_space<vmem>>, vector<16xf32>,
              tpu.vector_store %arg22[%swap3A_506], %add3A_505 {strides = array<i32>} : memref<512xf32, #tpu.memory_space<vmem>>, vector<16xf32>,
            }
            %scan3A_246 = arith.constant 16 : i32
          } else {
          }
        }
        %scan3A_151 = arith.constant 40 : i32
      } else {
      }
    }
    %scan3A_121 = arith.constant 8 : i32
    %mul3A_122 = arith.constant 512 : i32
    %mul3A_123 = arith.muli %add3A, %mul3A_122 : i32
    "tpu.region"() ({
      %run_scoped3A = tpu.sem_alloc : memref<!tpu.dma_semaphore, #tpu.memory_space<semaphore_mem>>
      %dma_start3A_126 = tpu.memref_slice %arg10[%mul3A_123] : memref<16384xf32, #tpu.memory_space<hbm>> -> memref<512xf32, #tpu.memory_space<hbm>>
      %dma_start3A_127 = tpu.memref_slice %arg10[%mul3A_123] : memref<16384xf32, #tpu.memory_space<hbm>> -> memref<512xf32, #tpu.memory_space<hbm>>
      tpu.enqueue_dma source(%arg22 : memref<512xf32, #tpu.memory_space<vmem>>) target(%dma_start3A_127 : memref<512xf32, #tpu.memory_space<hbm>>) target_semaphore(%run_scoped3A : memref<!tpu.dma_semaphore, #tpu.memory_space<semaphore_mem>>)
      %dma_wait3A_128 = tpu.memref_slice %arg10[%mul3A_123] : memref<16384xf32, #tpu.memory_space<hbm>> -> memref<512xf32, #tpu.memory_space<hbm>>
      %dma_wait3A_129 = tpu.memref_slice %arg10[%mul3A_123] : memref<16384xf32, #tpu.memory_space<hbm>> -> memref<512xf32, #tpu.memory_space<hbm>>
      tpu.wait_dma2 semaphore(%run_scoped3A : memref<!tpu.dma_semaphore, #tpu.memory_space<semaphore_mem>>) src(%arg22 : memref<512xf32, #tpu.memory_space<vmem>>) dst(%dma_wait3A_129 : memref<512xf32, #tpu.memory_space<hbm>>)
      tpu.yield
    }) : () -> ()
    %mul3A_124 = arith.constant 16 : i32
    %mul3A_125 = arith.muli %add3A, %mul3A_124 : i32
    "tpu.region"() ({
      %run_scoped3A = tpu.sem_alloc : memref<!tpu.dma_semaphore, #tpu.memory_space<semaphore_mem>>
      %dma_start3A_126 = tpu.memref_slice %arg11[%mul3A_125] : memref<512xf32, #tpu.memory_space<hbm>> -> memref<16xf32, #tpu.memory_space<hbm>>
      %dma_start3A_127 = tpu.memref_slice %arg11[%mul3A_125] : memref<512xf32, #tpu.memory_space<hbm>> -> memref<16xf32, #tpu.memory_space<hbm>>
      tpu.enqueue_dma source(%arg23 : memref<16xf32, #tpu.memory_space<vmem>>) target(%dma_start3A_127 : memref<16xf32, #tpu.memory_space<hbm>>) target_semaphore(%run_scoped3A : memref<!tpu.dma_semaphore, #tpu.memory_space<semaphore_mem>>)
      %dma_wait3A_128 = tpu.memref_slice %arg11[%mul3A_125] : memref<512xf32, #tpu.memory_space<hbm>> -> memref<16xf32, #tpu.memory_space<hbm>>
      %dma_wait3A_129 = tpu.memref_slice %arg11[%mul3A_125] : memref<512xf32, #tpu.memory_space<hbm>> -> memref<16xf32, #tpu.memory_space<hbm>>
      tpu.wait_dma2 semaphore(%run_scoped3A : memref<!tpu.dma_semaphore, #tpu.memory_space<semaphore_mem>>) src(%arg23 : memref<16xf32, #tpu.memory_space<vmem>>) dst(%dma_wait3A_129 : memref<16xf32, #tpu.memory_space<hbm>>)
      tpu.yield
    }) : () -> ()
    return
  }
}

module attributes {stable_mosaic.version = 14 : i64} {
  func.func @_combine_body(%arg0: memref<128x128xf32, #tpu.memory_space<vmem>>, %arg1: memref<4x128xf32, #tpu.memory_space<vmem>>, %arg2: memref<2x256x128xf32, #tpu.memory_space<vmem>>, %arg3: memref<1x128xf32, #tpu.memory_space<vmem>>) attributes {dimension_semantics = [], scalar_prefetch = 0 : i64, scratch_operands = 0 : i64, tpu.core_type = #tpu.core_type<tc>} {
    %get3A = arith.constant 0 : index
    %get3A_0 = arith.constant 0 : index
    %get3A_1 = vector.load %arg0[%get3A, %get3A_0] : memref<128x128xf32, #tpu.memory_space<vmem>>, vector<128x128xf32>
    %reshape3A = vector.shape_cast %get3A_1 : vector<128x128xf32> to vector<32x4x128xf32>
    %reduce_sum3A = arith.constant dense<0.000000e+00> : vector<4x128xf32>
    %reduce_sum3A_2 = vector.multi_reduction <add>, %reshape3A, %reduce_sum3A [0] : vector<32x4x128xf32> to vector<4x128xf32>
    %get3A_3 = arith.constant 0 : index
    %get3A_4 = arith.constant 0 : index
    %get3A_5 = vector.load %arg1[%get3A_3, %get3A_4] : memref<4x128xf32, #tpu.memory_space<vmem>>, vector<4x128xf32>
    %reduce_sum3A_6 = vector.shape_cast %get3A_5 : vector<4x128xf32> to vector<1x4x128xf32>
    %reduce_sum3A_7 = arith.constant dense<0.000000e+00> : vector<1xf32>
    %reduce_sum3A_8 = vector.multi_reduction <add>, %reduce_sum3A_6, %reduce_sum3A_7 [1, 2] : vector<1x4x128xf32> to vector<1xf32>
    %reduce_sum3A_9 = vector.shape_cast %reduce_sum3A_8 : vector<1xf32> to vector<1x1x1xf32>
    %reduce_sum3A_10 = vector.extract %reduce_sum3A_9[0, 0, 0] : f32 from vector<1x1x1xf32>
    %slice3A = vector.extract_strided_slice %reduce_sum3A_2 {offsets = [0, 0], sizes = [1, 128], strides = [1, 1]} : vector<4x128xf32> to vector<1x128xf32>
    %slice3A_11 = vector.extract_strided_slice %reduce_sum3A_2 {offsets = [1, 0], sizes = [1, 128], strides = [1, 1]} : vector<4x128xf32> to vector<1x128xf32>
    %concatenate3A = tpu.concatenate %slice3A, %slice3A_11 in 1 : vector<1x128xf32>, vector<1x128xf32> -> vector<1x256xf32>
    %slice3A_12 = vector.extract_strided_slice %reduce_sum3A_2 {offsets = [2, 0], sizes = [1, 128], strides = [1, 1]} : vector<4x128xf32> to vector<1x128xf32>
    %slice3A_13 = vector.extract_strided_slice %reduce_sum3A_2 {offsets = [3, 0], sizes = [1, 128], strides = [1, 1]} : vector<4x128xf32> to vector<1x128xf32>
    %concatenate3A_14 = tpu.concatenate %slice3A_12, %slice3A_13 in 1 : vector<1x128xf32>, vector<1x128xf32> -> vector<1x256xf32>
    %get3A_15 = arith.constant 0 : index
    %get3A_16 = arith.constant 0 : index
    %get3A_17 = arith.constant 0 : index
    %get3A_18 = vector.load %arg2[%get3A_15, %get3A_16, %get3A_17] : memref<2x256x128xf32, #tpu.memory_space<vmem>>, vector<2x256x128xf32>
    %slice3A_19 = vector.extract_strided_slice %get3A_18 {offsets = [0, 0, 0], sizes = [1, 256, 128], strides = [1, 1, 1]} : vector<2x256x128xf32> to vector<1x256x128xf32>
    %squeeze3A = vector.shape_cast %slice3A_19 : vector<1x256x128xf32> to vector<256x128xf32>
    %dot_general3A = arith.constant dense<0.000000e+00> : vector<1x128xf32>
    %dot_general3A_20 = tpu.matmul %concatenate3A, %squeeze3A, %dot_general3A {dimension_numbers = #tpu.dot_dimension_numbers<[1], [0], [0], [1], [0, 0, 1, 1], [], []>, transpose_lhs_hint = false} : vector<1x256xf32>, vector<256x128xf32>, vector<1x128xf32> -> vector<1x128xf32>
    %slice3A_21 = vector.extract_strided_slice %get3A_18 {offsets = [1, 0, 0], sizes = [1, 256, 128], strides = [1, 1, 1]} : vector<2x256x128xf32> to vector<1x256x128xf32>
    %squeeze3A_22 = vector.shape_cast %slice3A_21 : vector<1x256x128xf32> to vector<256x128xf32>
    %dot_general3A_23 = arith.constant dense<0.000000e+00> : vector<1x128xf32>
    %dot_general3A_24 = tpu.matmul %concatenate3A_14, %squeeze3A_22, %dot_general3A_23 {dimension_numbers = #tpu.dot_dimension_numbers<[1], [0], [0], [1], [0, 0, 1, 1], [], []>, transpose_lhs_hint = false} : vector<1x256xf32>, vector<256x128xf32>, vector<1x128xf32> -> vector<1x128xf32>
    %add3A = arith.addf %dot_general3A_20, %dot_general3A_24 : vector<1x128xf32>
    %max3A = arith.constant 1.000000e+00 : f32
    %max3A_25 = arith.maximumf %reduce_sum3A_10, %max3A : f32
    %div3A = vector.broadcast %max3A_25 : f32 to vector<1x128xf32>
    %div3A_26 = arith.divf %add3A, %div3A : vector<1x128xf32>
    %swap3A = arith.constant 0 : index
    %swap3A_27 = arith.constant 0 : index
    %swap3A_28 = vector.load %arg3[%swap3A, %swap3A_27] : memref<1x128xf32, #tpu.memory_space<vmem>>, vector<1x128xf32>
    tpu.vector_store %arg3[%swap3A, %swap3A_27], %div3A_26 {strides = array<i32>} : memref<1x128xf32, #tpu.memory_space<vmem>>, vector<1x128xf32>,
    return
  }
}

</mosaic_0001>

<sc_bundles>
// kernel: kernel.4.cloned.1.call-start
scs
__scs_entry_jumppad:
0x0: {  	(pc) =	sbr.rel $0x88, $3  }
0x1: {  	(tag) =	ssettag $0x0;
	lr =	simm.s32 $0x1  }
0x2: {  	[smem:$0x3F98] =	sst lr;
	_ =	strace $0xD0000000  }
0x3: {  	_ = 	snop  }
0x4: {  	_ = 	snop  }
0x5: {  	_ = 	snop  }
0x6: {  	_ = 	snop  }
0x7: {  	_ = 	snop  }
__scs_overlays_trampoline_lowered:
0x8: {  	[smem:$0x3FA7] =	sst s0  }
0x9: {  	[smem:$0x3FA8] =	sst s1  }
0xa: {  	[smem:$0x3FA9] =	sst s2  }
0xb: {  	[smem:$0x3FAA] =	sst s3  }
0xc: {  	[smem:$0x3FAB] =	sst s4  }
0xd: {  	[smem:$0x3FAC] =	sst s5  }
0xe: {  	[smem:$0x3FAD] =	sst s6  }
0xf: {  	[smem:$0x3FAE] =	sst s7  }
0x10: {  	[smem:$0x3FAF] =	sst s8  }
0x11: {  	[smem:$0x3FB0] =	sst s9;
	s0 =	simm.s32 @!p0 $0x0  }
0x12: {  	s1 =	sld [smem:$0x3F96];
	s0 =	simm.s32 @p0 $0x1  }
0x13: {  	[smem:$0x3FB1] =	sst s0;
	s0 =	simm.s32 @!p1 $0x0  }
0x14: {  	s2 =	sld [smem:$0x3F95];
	s0 =	simm.s32 @p1 $0x1  }
0x15: {  	[smem:$0x3FB2] =	sst s0;
	s0 =	simm.s32 @!p2 $0x0  }
0x16: {  	s3 =	sld [smem:$0x3FDB];
	s0 =	simm.s32 @p2 $0x1  }
0x17: {  	s4 =	simm.s32 $0x1BF5;
	[smem:$0x3FB4] =	sst s0  }
0x18: {  	s0 =	sld [smem:$0x3F97];
	_ =	swait.ge [sflag:s4], $0x0  }
0x19: {  	s7 =	sld [smem:$0x3F98]  }
0x1a: {  	s8 =	sadd.s32 $0xFFFFE003, lr  }
0x1b: {  	s9 =	sadd.s32 $0xFFFFFEF7, lr;
	s5 =	simm.s32 $0xFFFFFFFF;
	p2 =	slt.u32 s8, $0xFFFFF086  }
0x1c: {  	p1 =	slt.u32 s9, $0xF7A;
	s5 =	simm.s32 @!p2 $0x0  }
0x1d: {  	s5 =	simm.s32 @p1 $0x1;
	p0 =	seq.s32 s7, s2  }
0x1e: {  	s7 =	smul.u32 @!p0 $0xF7A, s2;
	p2 =	seq.s32 @!p0 s5, $0x0  }
0x1f: {  	s9 =	smul.u32 $0xF7A, s1;
	s8 =	simm.s32 @!p0 $0x1BF5;
	p2 =	por !p2, p0  }
0x20: {  	[sflag:s8] =	ssyncset.s32 @!p0 $0xFFFFF086;
	s6 =	sadd.s32 @!p0 s3, s7;
	s7 =	simm.s32 @!p0 $0x108  }
0x21: {  	s3 =	sadd.s32 s3, s9;
	s6 =	sadd.s32 @!p0 $0x88, s6;
	s7 =	simm.s32 @p2 $0x1082  }
0x22: {  	[simem:s7], [sflag:s8] =	dma.local @!p0 [hbm:s6], $0xF7A  }
0x23: {  	s9 =	sor.u32 $0xD0000000, s2;
	s6 =	simm.s32 $0x108;
	_ =	swait.ge @!p0 [sflag:s8], $0x0  }
0x24: {  	s3 =	sadd.s32 $0x88, s3;
	s6 =	simm.s32 @!p1 $0x1082;
	[sflag:s4] =	ssyncset.s32 $0xFFFFF086  }
0x25: {  	[simem:s6], [sflag:s4] =	dma.local [hbm:s3], $0xF7A  }
0x26: {  	[smem:$0x3F98] =	sst s1;
	(tag) =	ssettag s2;
	_ =	strace s9  }
0x27: {  	s1 =	sld [smem:$0x3FA8]  }
0x28: {  	s2 =	sld [smem:$0x3FA9]  }
0x29: {  	s4 =	sld [smem:$0x3FAB]  }
0x2a: {  	p0 =	seq.s32 s5, $0x0;
	s5 =	sld [smem:$0x3FAC]  }
0x2b: {  	s6 =	sld [smem:$0x3FAD]  }
0x2c: {  	s7 =	sld [smem:$0x3FAE]  }
0x2d: {  	s3 =	simm.s32 $0x108;
	s8 =	sld [smem:$0x3FAF]  }
0x2e: {  	s3 =	simm.s32 @!p0 $0x1082;
	s9 =	sld [smem:$0x3FB0]  }
0x2f: {  	lr =	sadd.s32 s0, s3;
	s0 =	sld [smem:$0x3FA7]  }
0x30: {  	s3 =	sld [smem:$0x3FAA]  }
0x31: {  	[smem:$0x3FB3] =	sst s10  }
0x32: {  	s10 =	sld [smem:$0x3FB1];
	_ =	sdelay $0x3  }
0x33: {  	p0 =	seq.s32 s10, $0x1;
	s10 =	sld [smem:$0x3FB3];
	_ =	sdelay $0x3  }
0x34: {  	[smem:$0x3FB3] =	sst s10  }
0x35: {  	s10 =	sld [smem:$0x3FB2];
	_ =	sdelay $0x3  }
0x36: {  	p1 =	seq.s32 s10, $0x1;
	s10 =	sld [smem:$0x3FB3];
	_ =	sdelay $0x3  }
0x37: {  	[smem:$0x3FB3] =	sst s10  }
0x38: {  	s10 =	sld [smem:$0x3FB4]  }
0x39: {  	_ = 	snop;
	(pc) =	sbr.ind lr, $3  }
0x3a: {  	_ = 	snop  }
0x3b: {  	_ = 	snop  }
0x3c: {  	p2 =	seq.s32 s10, $0x1;
	s10 =	sld [smem:$0x3FB3]  }
0x3d: {  	_ =	shalt  }
0x3e: {  	_ =	shalt  }
0x3f: {  	_ =	shalt  }
0x40: {  	_ =	shalt  }
0x41: {  	_ =	shalt  }
0x42: {  	_ =	shalt  }
0x43: {  	_ =	shalt  }
0x44: {  	_ =	shalt  }
0x45: {  	_ =	shalt  }
0x46: {  	_ =	shalt  }
0x47: {  	_ =	shalt  }
0x48: {  	_ =	shalt  }
0x49: {  	_ =	shalt  }
0x4a: {  	_ =	shalt  }
0x4b: {  	_ =	shalt  }
0x4c: {  	_ =	shalt  }
0x4d: {  	_ =	shalt  }
0x4e: {  	_ =	shalt  }
0x4f: {  	_ =	shalt  }
0x50: {  	_ =	shalt  }
0x51: {  	_ =	shalt  }
0x52: {  	_ =	shalt  }
0x53: {  	_ =	shalt  }
0x54: {  	_ =	shalt  }
0x55: {  	_ =	shalt  }
0x56: {  	_ =	shalt  }
0x57: {  	_ =	shalt  }
0x58: {  	_ =	shalt  }
0x59: {  	_ =	shalt  }
0x5a: {  	_ =	shalt  }
0x5b: {  	_ =	shalt  }
0x5c: {  	_ =	shalt  }
0x5d: {  	_ =	shalt  }
0x5e: {  	_ =	shalt  }
0x5f: {  	_ =	shalt  }
0x60: {  	_ =	shalt  }
0x61: {  	_ =	shalt  }
0x62: {  	_ =	shalt  }
0x63: {  	_ =	shalt  }
0x64: {  	_ =	shalt  }
0x65: {  	_ =	shalt  }
0x66: {  	_ =	shalt  }
0x67: {  	_ =	shalt  }
0x68: {  	_ =	shalt  }
0x69: {  	_ =	shalt  }
0x6a: {  	_ =	shalt  }
0x6b: {  	_ =	shalt  }
0x6c: {  	_ =	shalt  }
0x6d: {  	_ =	shalt  }
0x6e: {  	_ =	shalt  }
0x6f: {  	_ =	shalt  }
0x70: {  	_ =	shalt  }
0x71: {  	_ =	shalt  }
0x72: {  	_ =	shalt  }
0x73: {  	_ =	shalt  }
0x74: {  	_ =	shalt  }
0x75: {  	_ =	shalt  }
0x76: {  	_ =	shalt  }
0x77: {  	_ =	shalt  }
0x78: {  	_ =	shalt  }
0x79: {  	_ =	shalt  }
0x7a: {  	_ =	shalt  }
0x7b: {  	_ =	shalt  }
0x7c: {  	_ =	shalt  }
0x7d: {  	_ =	shalt  }
0x7e: {  	_ =	shalt  }
0x7f: {  	_ =	shalt  }
0x80: {  	_ =	shalt  }
0x81: {  	_ =	shalt  }
0x82: {  	_ =	shalt  }
0x83: {  	_ =	shalt  }
0x84: {  	_ =	shalt  }
0x85: {  	_ =	shalt  }
0x86: {  	_ =	shalt  }
0x87: {  	_ =	shalt  }
.Lfunc_end0:
.L_simem_size_0:
called_computation_lowered:
.L_overlay_start_0:
0x88: {  	s2 =	sld [smem:$0x3FD9]  }
0x89: {  	s3 =	sld [smem:$0x3FFE];
	_ =	sdelay $0x1  }
0x8a: {  	s1 =	srdreg.scid  }
0x8b: {  	s0 =	sand.u32 $0x1, s1  }
0x8c: {  	s17 =	sshll.u32 s0, $0xA;
	s2 =	sadd.s32 s3, s2  }
0x8d: {  	s2 =	sadd.s32 s2, s17  }
0x8e: {  	[smem:$0x3FBF] =	sst s2  }
0x8f: {  	_ = 	snop  }
0x90: {  	s2 =	sld [smem:$0x3FC9]  }
0x91: {  	s18 =	sld [smem:$0x3FC8]  }
0x92: {  	s4 =	sld [smem:$0x3FC7]  }
0x93: {  	s5 =	sld [smem:$0x3FC6]  }
0x94: {  	s6 =	sld [smem:$0x3FC4]  }
0x95: {  	s7 =	sld [smem:$0x3FC3]  }
0x96: {  	s8 =	sld [smem:$0x3FD0];
	(tm) =	ssettm $0x1  }
0x97: {  	s9 =	sld [smem:$0x3FFB];
	_ =	sdelay $0x3  }
0x98: {  	_ =	strace s9  }
0x99: {  	s9 =	sld [smem:$0x3FFC];
	_ =	sdelay $0x3  }
0x9a: {  	_ =	strace s9  }
0x9b: {  	s9 =	sld [smem:$0x3FFD];
	_ =	sdelay $0x3  }
0x9c: {  	_ =	strace s9  }
0x9d: {  	_ =	strace $0x8FFFFFFF  }
0x9e: {  	s19 =	sld [smem:$0x3FDB];
	_ =	sdelay $0x1  }
0x9f: {  	s10 =	simm.s32 $_scs_section_size  }
0xa0: {  	s11 =	simm.s32 $_size__tile_overlayer_lowered;
	s12 =	simm.s32 $_tile_overlayer_lowered  }
0xa1: {  	s22 =	simm.s32 $0x1BFF;
	s21 =	sshll.u32 s12, $0x1;
	s9 =	sadd.s32 s10, s19  }
0xa2: {  	s13 =	simm.s32 $0x0;
	s20 =	sshll.u32 s11, $0x1;
	s11 =	sadd.s32 s21, s9  }
0xa3: {  	[timem:s13], [sflag:s22] =	dma.local [hbm:s11], s20  }
0xa4: {  	_ =	swait.ge [sflag:s22], s20  }
0xa5: {  	s10 =	ssub.s32 $0x0, s20;
	[sflag:s22] =	ssyncset.done $0x0  }
0xa6: {  	[sflag:s22] =	ssyncadd.s32 s10;
	_ =	sdelay $0x1  }
0xa7: {  	s23 =	simm.s32 $0x1B8B  }
0xa8: {  	_ =	swait.ge [sflag:s23], $0x1  }
0xa9: {  	[sflag:s23] =	ssyncset.done $0x0  }
0xaa: {  	s25 =	simm.s32 $0x1B8E;
	s24 =	sld [smem:$0x3FFE];
	[sflag:s23] =	ssyncadd.s32 $0xFFFFFFFF  }
0xab: {  	s26 =	simm.s32 $execute0_lowered;
	[smem:$0x3FD2] =	sst s25  }
0xac: {  	s11 =	sshll.u32 s26, $0x1;
	_ =	strace $0x80000046;
	[dreg:$0x1] =	wrdreg $0xFFFFFFFF  }
0xad: {  	s28 =	simm.s32 $_size_execute0_lowered;
	s9 =	sadd.s32 s9, s11;
	[dreg:$0x0] =	wrdreg $0x0  }
0xae: {  	s11 =	sshll.u32 s28, $0x1;
	[dreg:$0x2] =	wrdreg s9  }
0xaf: {  	[dreg:$0x3] =	wrdreg s11  }
0xb0: {  	[dreg:$0x4] =	wrdreg $0xC0  }
0xb1: {  	_ =	task [dreg:s13], $0x5FFFF  }
0xb2: {  	[dreg:$0x1] =	wrdreg $0xFFFFFFFF  }
0xb3: {  	[dreg:$0x0] =	wrdreg $0x60  }
0xb4: {  	[dreg:$0x2] =	wrdreg s18  }
0xb5: {  	[dreg:$0x3] =	wrdreg s4  }
0xb6: {  	[dreg:$0x4] =	wrdreg s5  }
0xb7: {  	[dreg:$0x5] =	wrdreg s8  }
0xb8: {  	[dreg:$0x6] =	wrdreg s24  }
0xb9: {  	[dreg:$0x7] =	wrdreg s2  }
0xba: {  	[dreg:$0x8] =	wrdreg s6  }
0xbb: {  	[dreg:$0x9] =	wrdreg s7  }
0xbc: {  	[dreg:$0xa] =	wrdreg $0x9  }
0xbd: {  	_ =	task.clear_ibuf [dreg:s13], $0xBFFFF;
	_ =	strace $0x90000046  }
0xbe: {  	s29 =	simm.s32 $0x9;
	_ =	strace $0x80000048  }
0xbf: {  	_ =	swait.ge [sflag:s29], $0x1  }
0xc0: {  	[sflag:s29] =	ssyncadd.s32 $0xFFFFFFFF  }
0xc1: {  	_ =	strace $0x90000048  }
0xc2: {  	_ =	sfence  }
0xc3: {  	s30 =	sld [smem:$0x0];
	_ =	sdelay $0x2  }
0xc4: {  	s31 =	sshll.u32 s1, $0xD;
	s1 =	sshrl.u32 s1, $0x2  }
0xc5: {  	s3 =	sand.u32 $0x4000, s31;
	s1 =	sadd.s32 s1, s30  }
0xc6: {  	s0 =	sor.u32 s3, s0;
	s1 =	sshll.u32 s1, $0x11  }
0xc7: {  	s0 =	sor.u32 s1, s0  }
0xc8: {  	s0 =	sadd.s32 $0x8F2B, s0  }
0xc9: {  	[sflag:s0] =	ssyncadd.remote.s32 $0x1  }
0xca: {  	_ =	sfence.sel $0xFFFF  }
0xcb: {  	[dreg:$0x0] =	wrdreg $0xFFFFFFFF;
	(pc) =	sbr.abs _section_cstart, $3  }
0xcc: {  	[dreg:$0x1] =	wrdreg $0xFFFFFFFF  }
0xcd: {  	_ =	task.clear_ibuf [dreg:s13], $0x2FFFF;
	_ =	strace $0x9FFFFFFF  }
0xce: {  	(tm) =	ssettm $0x7FFFFFFF  }
0xcf: {  	_ =	shalt  }
tec
execute0_lowered:
.L_overlay_start_1:
0x0: {  	(tag) =	ssettag $0x1  }
0x1: {  	s2 =	rddreg [dreg:$0x0]  }
0x2: {  	s0 =	rddreg [dreg:$0x1]  }
0x3: {  	s1 =	rddreg [dreg:$0x2]  }
0x4: {  	s3 =	rddreg [dreg:$0x4]  }
0x5: {  	s4 =	rddreg [dreg:$0x5]  }
0x6: {  	s6 =	rddreg [dreg:$0x6];
	s5 =	srdreg.scid  }
0x7: {  	s8 =	stileid.u32;
	s7 =	rddreg [dreg:$0x7]  }
0x8: {  	s13 =	simm.s32 $0x0;
	s17 =	simm.s32 $0x5000;
	s18 =	simm.s32 $0x8  }
0x9: {  	s21 =	simm.s32 $0x10;
	s28 =	simm.s32 $0x5480;
	s29 =	simm.s32 $0x5600  }
0xa: {  	s30 =	simm.s32 $0x5E80;
	s31 =	simm.s32 $0x4;
	s19 =	simm.s32 $0x0  }
0xb: {  	s5 =	sand.u32 $0x1, s5;
	s8 =	sshll.u32 s8, $0x1;
	[smem:$0x7FF] =	sst s13  }
0xc: {  	s11 =	sadd.s32 $0xE00, s3;
	s8 =	sor.u32 s5, s8;
	_ =	strace $0x80000047  }
0xd: {  	[dreg:$0x9] =	wrdreg s11;
	s5 =	ssub.s32 $0x2, s5;
	s9 =	smul.u32 $0x2800, s8  }
0xe: {  	s10 =	sshll.u32 s8, $0x6;
	s8 =	sshll.u32 s8, $0x1;
	s23 =	sshrl.u32 s5, $0x1  }
0xf: {  	s22 =	sadd.s32 s10, s3;
	s3 =	sadd.s32 s8, s3;
	s24 =	ssub.s32 s5, s23  }
0x10: {  	s23 =	simm.s32 $0x5500;
	s5 =	simm.s32 $0x5680;
	s10 =	smin.u32 s9, $0x4BA00  }
0x11: {  	s26 =	sadd.s32 $0x1000, s22;
	s3 =	sadd.s32 $0x1800, s3;
	s22 =	simm.s32 $0x5400  }
.Ltmp0:
0x12: {  	s12 =	sshrl.u32 s10, $0x2;
	[dreg:$0xc] =	wrdreg s26;
	(pc) =	sbr.rel .LBB2_1-.Ltmp0, $4  }
0x13: {  	[dreg:$0xd] =	wrdreg s3;
	s26 =	simm.s32 $0x3;
	s12 =	sadd.s32 s2, s12  }
0x14: {  	s3 =	simm.s32 $0x6;
	s2 =	smax.u32 s24, $0x1;
	[dreg:$0xa] =	wrdreg s12  }
0x15: {  	v1 =	vimm.f32 $0.0e+00;
	s24 =	simm.s32 $0x5580;
	s25 =	sadd.s32 $0x500, s12;
	[dreg:$0xe] =	wrdreg s2  }
0x16: {  	v2 =	vimm.s32 $0x0;
	v3 =	vlaneseq.u32;
	v0 =	vmov s9;
	s2 =	simm.s32 $0x5;
	[dreg:$0xb] =	wrdreg s25;
	s25 =	simm.s32 $0x2  }
.LBB2_19:
0x17: {  	s13 =	simm.s32 $0x0;
	s8 =	rddreg [dreg:$0xc];
	s9 =	simm.s32 $0x6680  }
0x18: {  	[hbm4b:s8+s13] =	stream.linear.scatter [tilespmem:s9], [sflag:$0x8], $0x200, $0x38;
	[tilespmem:$0x6900] =	vst v63  }
0x19: {  	_ =	swait.ge [sflag:s18], $0x200  }
0x1a: {  	[sflag:s18] =	ssyncset.done $0x0  }
0x1b: {  	s16 =	simm.s32 $0x6880;
	s15 =	rddreg [dreg:$0xd];
	[sflag:s18] =	ssyncadd.s32 $0xFFFFFE00  }
0x1c: {  	[hbm4b:s15+s13] =	stream.linear.scatter [tilespmem:s16], [sflag:$0x8], $0x10, $0x38;
	[tilespmem:$0x6900] =	vst v63  }
0x1d: {  	_ =	swait.ge [sflag:s18], $0x10  }
0x1e: {  	s19 =	sadd.s32 $0x1, s19;
	s20 =	rddreg [dreg:$0xe]  }
0x1f: {  	p0 =	sne.s32 s19, s20  }
.Ltmp1:
0x20: {  	_ = 	snop;
	(pc) =	sbr.rel @!p0 .LBB2_20-.Ltmp1, $3  }
0x21: {  	_ =	sdelay $0x1  }
0x22: {  	[sflag:s18] =	ssyncset.done $0x0  }
0x23: {  	[sflag:s18] =	ssyncadd.s32 $0xFFFFFFF0  }
.LBB2_1:
0x24: {  	s8 =	rddreg [dreg:$0xa]  }
0x25: {  	[tilespmem:s13], [sflag:$0x1] =	stream.linear.gather [hbm4b:s8+s13], $0x2800, $0x38;
	[tilespmem:$0x6900] =	vst v63  }
0x26: {  	s12 =	rddreg [dreg:$0xb];
	s9 =	simm.s32 $0x2800  }
0x27: {  	[tilespmem:s9], [sflag:$0x7] =	stream.linear.gather [hbm4b:s12+s13], $0x2800, $0x38;
	[tilespmem:$0x6900] =	vst v63  }
0x28: {  	s14 =	rddreg [dreg:$0x9]  }
0x29: {  	[tilespmem:s17], [sflag:$0x8] =	stream.linear.gather [hbm4b:s14+s13], $0x380, $0x38;
	[tilespmem:$0x6900] =	vst v63  }
0x2a: {  	_ =	swait.ge [sflag:s18], $0x380  }
0x2b: {  	[sflag:s18] =	ssyncset.done $0x0  }
0x2c: {  	[sflag:s18] =	ssyncadd.s32 $0xFFFFFC80  }
0x2d: {  	s16 =	simm.s32 $0x5380;
	s15 =	rddreg [dreg:$0x3]  }
0x2e: {  	[tilespmem:s16], [sflag:$0x8] =	stream.linear.gather [hbm4b:s15+s13], $0x80, $0x38;
	[tilespmem:$0x6900] =	vst v63  }
0x2f: {  	_ =	swait.ge [sflag:s18], $0x80  }
0x30: {  	[sflag:s18] =	ssyncset.done $0x0  }
0x31: {  	[sflag:s18] =	ssyncadd.s32 $0xFFFFFF80  }
0x32: {  	[tilespmem:$0x6680] =	vst v1  }
0x33: {  	[tilespmem:$0x6690] =	vst v1  }
0x34: {  	[tilespmem:$0x66A0] =	vst v1  }
0x35: {  	[tilespmem:$0x66B0] =	vst v1  }
0x36: {  	[tilespmem:$0x66C0] =	vst v1  }
0x37: {  	[tilespmem:$0x66D0] =	vst v1  }
0x38: {  	[tilespmem:$0x66E0] =	vst v1  }
0x39: {  	[tilespmem:$0x66F0] =	vst v1  }
0x3a: {  	[tilespmem:$0x6700] =	vst v1  }
0x3b: {  	[tilespmem:$0x6710] =	vst v1  }
0x3c: {  	[tilespmem:$0x6720] =	vst v1  }
0x3d: {  	[tilespmem:$0x6730] =	vst v1  }
0x3e: {  	[tilespmem:$0x6740] =	vst v1  }
0x3f: {  	[tilespmem:$0x6750] =	vst v1  }
0x40: {  	[tilespmem:$0x6760] =	vst v1  }
0x41: {  	[tilespmem:$0x6770] =	vst v1  }
0x42: {  	[tilespmem:$0x6780] =	vst v1  }
0x43: {  	[tilespmem:$0x6790] =	vst v1  }
0x44: {  	[tilespmem:$0x67A0] =	vst v1  }
0x45: {  	[tilespmem:$0x67B0] =	vst v1  }
0x46: {  	[tilespmem:$0x67C0] =	vst v1  }
0x47: {  	[tilespmem:$0x67D0] =	vst v1  }
0x48: {  	[tilespmem:$0x67E0] =	vst v1  }
0x49: {  	[tilespmem:$0x67F0] =	vst v1  }
0x4a: {  	[tilespmem:$0x6800] =	vst v1  }
0x4b: {  	[tilespmem:$0x6810] =	vst v1  }
0x4c: {  	[tilespmem:$0x6820] =	vst v1  }
0x4d: {  	[tilespmem:$0x6830] =	vst v1  }
0x4e: {  	[tilespmem:$0x6840] =	vst v1  }
0x4f: {  	[tilespmem:$0x6850] =	vst v1  }
0x50: {  	[tilespmem:$0x6860] =	vst v1  }
.Ltmp2:
0x51: {  	[tilespmem:$0x6870] =	vst v1;
	(pc) =	sbr.rel .LBB2_2-.Ltmp2, $4  }
0x52: {  	s20 =	simm.s32 $0x1;
	[tilespmem:$0x6880] =	vst v1  }
0x53: {  	v4 =	vld [tilespmem:$0x5380];
	_ =	swait.ge [sflag:s20], $0x2800  }
0x54: {  	[sflag:s20] =	ssyncset.done $0x0  }
0x55: {  	s9 =	simm.s32 $0x0;
	[sflag:s20] =	ssyncadd.s32 $0xFFFFD800  }
.LBB2_9:
0x56: {  	s9 =	sadd.s32 $0x1, s9  }
0x57: {  	p0 =	sne.s32 s9, $0x8  }
.Ltmp3:
0x58: {  	_ = 	snop;
	(pc) =	sbr.rel @!p0 .LBB2_10-.Ltmp3, $1  }
0x59: {  	_ =	sdelay $0x3  }
.LBB2_2:
0x5a: {  	s8 =	smul.u32 $0x1400, s9;
	_ =	sdelay $0x1  }
0x5b: {  	s11 =	sshra.s32 s8, $0x2  }
0x5c: {  	v5 =	vld [tilespmem:s11+$0x80]  }
0x5d: {  	v6 =	vld [tilespmem:s11+$0x90]  }
0x5e: {  	v7 =	vld [tilespmem:s11+$0xA0]  }
0x5f: {  	v8 =	vld [tilespmem:s11+$0xB0]  }
0x60: {  	v9 =	vld [tilespmem:s11+$0xC0]  }
0x61: {  	v10 =	vld [tilespmem:s11+$0xD0]  }
0x62: {  	v11 =	vld [tilespmem:s11+$0xE0]  }
0x63: {  	v12 =	vld [tilespmem:s11+$0xF0]  }
0x64: {  	v13 =	vld [tilespmem:s11+$0x180]  }
0x65: {  	v14 =	vld [tilespmem:s11+$0x190]  }
0x66: {  	v15 =	vld [tilespmem:s11+$0x1A0]  }
0x67: {  	v16 =	vld [tilespmem:s11+$0x1B0]  }
0x68: {  	v17 =	vld [tilespmem:s11+$0x1C0]  }
0x69: {  	v18 =	vld [tilespmem:s11+$0x1D0]  }
0x6a: {  	v19 =	vld [tilespmem:s11+$0x1E0]  }
0x6b: {  	v20 =	vld [tilespmem:s11+$0x1F0]  }
0x6c: {  	v21 =	vld [tilespmem:s11+$0x280]  }
0x6d: {  	v22 =	vld [tilespmem:s11+$0x290]  }
0x6e: {  	v23 =	vld [tilespmem:s11+$0x2A0]  }
0x6f: {  	v50 =	vld [tilespmem:s11+$0x2E0];
	vm0 =	veq.s32 v5, v4  }
0x70: {  	v51 =	vld [tilespmem:s11+$0x2F0];
	vm1 =	veq.s32 v6, v4;
	vm10 =	veq.s32 v7, v4;
	vm2 =	veq.s32 v8, v4  }
0x71: {  	v52 =	vld [tilespmem:s11+$0x380];
	vm11 =	veq.s32 v9, v4;
	vm3 =	veq.s32 v10, v4;
	vm12 =	veq.s32 v11, v4  }
0x72: {  	v53 =	vld [tilespmem:s11+$0x390];
	vm4 =	veq.s32 v13, v4;
	vm13 =	veq.s32 v14, v4;
	vm14 =	veq.s32 v15, v4  }
0x73: {  	v6 =	vld [tilespmem:s11+$0x2C0];
	vm15 =	veq.s32 v12, v4;
	vm8 =	veq.s32 v16, v4;
	vm9 =	veq.s32 v17, v4  }
0x74: {  	v7 =	vld [tilespmem:s11+$0x2D0];
	vm0 =	vmor vm0, vm1;
	vm1 =	vmor vm4, vm13;
	vm13 =	veq.s32 v19, v4  }
0x75: {  	v54 =	vld [tilespmem:s11+$0x3A0];
	vm0 =	vmor vm0, vm10;
	vm1 =	vmor vm1, vm14;
	vm10 =	veq.s32 v18, v4  }
0x76: {  	v5 =	vld [tilespmem:s11+$0x2B0];
	vm14 =	veq.s32 v23, v4;
	vm0 =	vmor vm0, vm2;
	vm1 =	vmor vm1, vm8  }
0x77: {  	v55 =	vld [tilespmem:s11+$0x3B0];
	vm8 =	veq.s32 v20, v4;
	vm0 =	vmor vm0, vm11;
	vm1 =	vmor vm1, vm9  }
0x78: {  	v56 =	vld [tilespmem:s11+$0x3C0];
	vm11 =	veq.s32 v21, v4;
	vm0 =	vmor vm0, vm3;
	vm1 =	vmor vm1, vm10  }
0x79: {  	v57 =	vld [tilespmem:s11+$0x3D0];
	vm9 =	veq.s32 v6, v4;
	vm10 =	veq.s32 v7, v4;
	vm0 =	vmor vm0, vm12  }
0x7a: {  	v58 =	vld [tilespmem:s11+$0x490];
	vm12 =	veq.s32 v22, v4;
	vm1 =	vmor vm1, vm13;
	vm0 =	vmor vm0, vm15  }
0x7b: {  	v7 =	vld [tilespmem:s11+$0x480];
	vm2 =	vmor vm11, vm12;
	vm15 =	veq.s32 v5, v4;
	vm1 =	vmor vm1, vm8  }
0x7c: {  	v59 =	vld [tilespmem:s11+$0x4A0];
	vm11 =	veq.s32 v50, v4;
	vm12 =	veq.s32 v52, v4;
	vm2 =	vmor vm2, vm14  }
0x7d: {  	v60 =	vld [tilespmem:s11+$0x4B0];
	vm8 =	veq.s32 v54, v4;
	vm0 =	vmor vm0, vm1;
	vm2 =	vmor vm2, vm15  }
0x7e: {  	v61 =	vld [tilespmem:s11+$0x4C0];
	vm14 =	veq.s32 v53, v4;
	vm15 =	veq.s32 v51, v4;
	vm2 =	vmor vm2, vm9  }
0x7f: {  	v5 =	vld [tilespmem:s11+$0x3E0];
	vm9 =	veq.s32 v55, v4;
	vm2 =	vmor vm2, vm10;
	vm10 =	veq.s32 v56, v4  }
0x80: {  	v62 =	vld [tilespmem:s11+$0x4E0];
	vm13 =	vmor vm2, vm11;
	vm2 =	vmor vm12, vm14;
	vm11 =	veq.s32 v7, v4  }
0x81: {  	v7 =	vld [tilespmem:s11+$0x4D0];
	vm14 =	veq.s32 v57, v4;
	vm1 =	vmor vm13, vm15;
	vm2 =	vmor vm2, vm8  }
0x82: {  	v6 =	vld [tilespmem:s11+$0x3F0];
	vm13 =	veq.s32 v58, v4;
	vm15 =	veq.s32 v59, v4;
	vm2 =	vmor vm2, vm9  }
0x83: {  	v63 =	vld [tilespmem:s11+$0x4F0];
	vm8 =	veq.s32 v60, v4;
	vm12 =	vmor vm2, vm10;
	vm2 =	vmor vm11, vm13  }
0x84: {  	vm0 =	vmor vm0, vm1;
	vm9 =	veq.s32 v5, v4;
	vm2 =	vmor vm2, vm15  }
0x85: {  	vm10 =	veq.s32 v61, v4;
	vm13 =	veq.s32 v62, v4;
	vm2 =	vmor vm2, vm8  }
0x86: {  	vm1 =	vmor vm12, vm14;
	vm11 =	veq.s32 v7, v4;
	vm2 =	vmor vm2, vm10  }
0x87: {  	vm12 =	veq.s32 v6, v4;
	vm1 =	vmor vm1, vm9;
	vm2 =	vmor vm2, vm11  }
0x88: {  	vm14 =	veq.s32 v63, v4;
	vm1 =	vmor vm1, vm12;
	vm2 =	vmor vm2, vm13  }
0x89: {  	vm0 =	vmor vm0, vm1;
	vm15 =	vmor vm2, vm14  }
0x8a: {  	vm0 =	vmor vm0, vm15  }
0x8b: {  	v5 =	vsel vm0, $0x1, v2  }
0x8c: {  	v5 =	vor.u32 $0x80000000, v5  }
0x8d: {  	(xrf0) =	vmax.scan.msk.u32 $0xffff, v5;
	_ =	sdelay $0x5  }
0x8e: {  	v5, _, _ =	vpop (xrf0)  }
0x8f: {  	(v2sf) =	vpush v5, $0xF;
	_ =	sdelay $0xe  }
0x90: {  	s20 =	spop (v2sf)  }
0x91: {  	p0 =	slt.u32 s20, $0x80000001  }
.Ltmp4:
0x92: {  	_ = 	snop;
	(pc) =	sbr.rel @p0 .LBB2_9-.Ltmp4, $1  }
0x93: {  	_ =	sdelay $0x3  }
.Ltmp5:
0x94: {  	(pc) =	sbr.rel .LBB2_4-.Ltmp5, $2  }
0x95: {  	_ =	sdelay $0x2  }
0x96: {  	s12 =	smul.u32 $0x28, s9;
	s13 =	simm.s32 $0x0  }
.LBB2_7:
0x97: {  	v5 =	vld [tilespmem:$0x6760]  }
0x98: {  	v6 =	vld [tilespmem:$0x6860];
	v13 =	vmul.f32 v12, v8  }
0x99: {  	v57 =	vmul.f32 v12, v7  }
0x9a: {  	v14 =	vmul.f32 v11, v8;
	v9 =	vadd.f32 v9, v13  }
0x9b: {  	v58 =	vmul.f32 v11, v7;
	v10 =	vadd.f32 v10, v57  }
0x9c: {  	[tilespmem:$0x66E0] =	vst v9;
	v5 =	vadd.f32 v5, v14  }
0x9d: {  	[tilespmem:$0x67E0] =	vst v10;
	v6 =	vadd.f32 v6, v58  }
0x9e: {  	[tilespmem:$0x6760] =	vst v5  }
0x9f: {  	[tilespmem:$0x6860] =	vst v6  }
0xa0: {  	v5 =	vld [tilespmem:s20+$0x30]  }
0xa1: {  	v6 =	vld [tilespmem:$0x66F0]  }
0xa2: {  	v9 =	vld [tilespmem:s11+$0x30]  }
0xa3: {  	v59 =	vld [tilespmem:$0x67F0]  }
0xa4: {  	v60 =	vld [tilespmem:$0x6770]  }
0xa5: {  	v61 =	vld [tilespmem:$0x6870];
	v62 =	vmul.f32 v5, v8  }
0xa6: {  	v5 =	vmul.f32 v5, v7  }
0xa7: {  	v63 =	vmul.f32 v9, v8;
	v6 =	vadd.f32 v6, v62  }
0xa8: {  	v7 =	vmul.f32 v9, v7;
	v5 =	vadd.f32 v59, v5  }
0xa9: {  	v8 =	vadd.f32 v60, v63;
	[tilespmem:$0x66F0] =	vst v6  }
0xaa: {  	v6 =	vadd.f32 v61, v7;
	[tilespmem:$0x67F0] =	vst v5  }
0xab: {  	[tilespmem:$0x6770] =	vst v8  }
0xac: {  	[tilespmem:$0x6870] =	vst v6  }
.LBB2_8:
0xad: {  	s13 =	sadd.s32 $0x1, s13  }
0xae: {  	p0 =	sne.s32 s13, $0x28  }
.Ltmp6:
0xaf: {  	_ = 	snop;
	(pc) =	sbr.rel @!p0 .LBB2_9-.Ltmp6, $1  }
0xb0: {  	_ =	sdelay $0x3  }
.LBB2_4:
0xb1: {  	_ = 	snop  }
0xb2: {  	s8 =	sadd.s32 s12, s13  }
0xb3: {  	s11 =	sshll.u32 s8, $0x4;
	s8 =	sshll.u32 s8, $0x5  }
0xb4: {  	s14 =	sand.u32 $0x70, s11;
	s8 =	sand.u32 $0x7F00, s8  }
0xb5: {  	s8 =	sor.u32 s14, s8  }
0xb6: {  	v6 =	vld [tilespmem:s8+$0x80];
	_ =	sdelay $0x2  }
0xb7: {  	s11 =	sadd.s32 s10, s11  }
0xb8: {  	v5 =	vor.u32 s11, v3  }
0xb9: {  	vm1 =	vge.u32 v5, v0;
	vm0 =	veq.s32 v6, v4  }
0xba: {  	vm0 =	vmand vm1, vm0  }
0xbb: {  	v6 =	vsel vm0, $0x3F800000, v1  }
0xbc: {  	(xrf0) =	vmax.scan.msk.f32 $0xffff, v6;
	_ =	sdelay $0x5  }
0xbd: {  	v7, _, _ =	vpop (xrf0)  }
0xbe: {  	(v2sf) =	vpush v7, $0xF;
	_ =	sdelay $0xe  }
0xbf: {  	s20 =	spop (v2sf)  }
0xc0: {  	p0 =	sgt.f32 s20, $0.0e+00  }
.Ltmp7:
0xc1: {  	_ = 	snop;
	(pc) =	sbr.rel @!p0 .LBB2_8-.Ltmp7, $1  }
0xc2: {  	_ =	sdelay $0x3  }
0xc3: {  	[tilespmem:$0x5400] =	vst v5  }
0xc4: {  	[tilespmem:s23], [sflag:$0x2] =	stream.indirect.gather [hbm4b:s0+s21], $0x1, s22, s21, $0xb8;
	[tilespmem:$0x6900] =	vst v63  }
0xc5: {  	_ = 	snop  }
0xc6: {  	[tilespmem:s24], [sflag:$0x3] =	stream.indirect.gather [hbm4b:s1+s21], $0x1, s22, s21, $0xb8;
	[tilespmem:$0x6900] =	vst v63  }
0xc7: {  	v5 =	vld [tilespmem:s8+$0x0];
	_ =	sdelay $0x4  }
0xc8: {  	[tilespmem:$0x5480] =	vst v5  }
0xc9: {  	_ =	swait.ge [sflag:s25], $0x10  }
0xca: {  	[sflag:s25] =	ssyncset.done $0x0  }
0xcb: {  	[sflag:s25] =	ssyncadd.s32 $0xFFFFFFF0  }
0xcc: {  	_ =	swait.ge [sflag:s26], $0x10  }
0xcd: {  	[sflag:s26] =	ssyncset.done $0x0  }
0xce: {  	[sflag:s26] =	ssyncadd.s32 $0xFFFFFFF0  }
0xcf: {  	[tilespmem:s29], [sflag:$0x4] =	stream.indirect.gather [hbm4b:s4+s21], $0x1, s28, s21, $0xb8;
	[tilespmem:$0x6900] =	vst v63  }
0xd0: {  	_ = 	snop  }
0xd1: {  	[tilespmem:s30], [sflag:$0x6] =	stream.indirect.gather [hbm4b:s7+s21], $0x80, s24, s21, $0xb8;
	[tilespmem:$0x6900] =	vst v63  }
0xd2: {  	_ =	swait.ge [sflag:s31], $0x10  }
0xd3: {  	[sflag:s31] =	ssyncset.done $0x0  }
0xd4: {  	[sflag:s31] =	ssyncadd.s32 $0xFFFFFFF0  }
0xd5: {  	[tilespmem:s5], [sflag:$0x5] =	stream.indirect.gather [hbm4b:s6+s21], $0x80, s29, s21, $0xb8;
	[tilespmem:$0x6900] =	vst v63  }
0xd6: {  	v5 =	vld [tilespmem:$0x5500];
	_ =	sdelay $0x3  }
0xd7: {  	v7 =	vld [tilespmem:$0x6880]  }
0xd8: {  	v5 =	vshll.u32 v5, $0x1  }
0xd9: {  	v8 =	vor.u32 $0x1, v5;
	_ =	sdelay $0x2  }
0xda: {  	v7 =	vadd.f32 v7, v6  }
0xdb: {  	v5 =	vld.idx.msk [tilespmem:v5+s17+$0x0], $0xffff  }
0xdc: {  	v8 =	vld.idx.msk [tilespmem:v8+s17+$0x0], $0xffff;
	[tilespmem:$0x6880] =	vst v7  }
0xdd: {  	_ =	swait.ge [sflag:s3], $0x800  }
0xde: {  	[sflag:s3] =	ssyncset.done $0x0  }
0xdf: {  	[sflag:s3] =	ssyncadd.s32 $0xFFFFF800  }
0xe0: {  	_ =	swait.ge [sflag:s2], $0x800  }
0xe1: {  	[sflag:s2] =	ssyncset.done $0x0  }
0xe2: {  	s14 =	simm.s32 $0x5EC0;
	[sflag:s2] =	ssyncadd.s32 $0xFFFFF800  }
0xe3: {  	s15 =	simm.s32 $0x56C0;
	v9 =	vld [tilespmem:s14+$0xFFFFFFC0]  }
0xe4: {  	s20 =	simm.s32 $0x0;
	v5 =	vmul.f32 v5, v6;
	v10 =	vld [tilespmem:s15+$0xFFFFFFC0]  }
0xe5: {  	v7 =	vmov s20;
	v6 =	vmul.f32 v8, v6;
	v11 =	vld [tilespmem:$0x6700]  }
0xe6: {  	v8 =	vperm.xlane v5, v7;
	v12 =	vld [tilespmem:$0x6800]  }
0xe7: {  	v7 =	vperm.xlane v6, v7;
	v13 =	vld [tilespmem:$0x6680]  }
0xe8: {  	v14 =	vld [tilespmem:$0x6780];
	v15 =	vmul.f32 v9, v8  }
0xe9: {  	v9 =	vmul.f32 v9, v7  }
0xea: {  	v16 =	vmul.f32 v10, v8;
	v11 =	vadd.f32 v11, v15  }
0xeb: {  	v10 =	vmul.f32 v10, v7;
	v9 =	vadd.f32 v12, v9  }
0xec: {  	v12 =	vadd.f32 v13, v16;
	[tilespmem:$0x6700] =	vst v11  }
0xed: {  	v10 =	vadd.f32 v14, v10;
	[tilespmem:$0x6800] =	vst v9  }
0xee: {  	[tilespmem:$0x6680] =	vst v12  }
0xef: {  	[tilespmem:$0x6780] =	vst v10  }
0xf0: {  	v9 =	vld [tilespmem:s15+$0xFFFFFFD0]  }
0xf1: {  	v10 =	vld [tilespmem:s14+$0xFFFFFFD0]  }
0xf2: {  	v11 =	vld [tilespmem:$0x6790]  }
0xf3: {  	v12 =	vld [tilespmem:$0x6710]  }
0xf4: {  	v13 =	vld [tilespmem:$0x6690]  }
0xf5: {  	v14 =	vld [tilespmem:$0x6810];
	v15 =	vmul.f32 v9, v7  }
0xf6: {  	v59 =	vmul.f32 v10, v8  }
0xf7: {  	v9 =	vmul.f32 v9, v8;
	v11 =	vadd.f32 v11, v15  }
0xf8: {  	v10 =	vmul.f32 v10, v7;
	v12 =	vadd.f32 v12, v59  }
0xf9: {  	v9 =	vadd.f32 v13, v9;
	[tilespmem:$0x6790] =	vst v11  }
0xfa: {  	v10 =	vadd.f32 v14, v10;
	[tilespmem:$0x6710] =	vst v12  }
0xfb: {  	[tilespmem:$0x6690] =	vst v9  }
0xfc: {  	[tilespmem:$0x6810] =	vst v10  }
0xfd: {  	v9 =	vld [tilespmem:s15+$0xFFFFFFE0]  }
0xfe: {  	v11 =	vld [tilespmem:$0x66A0]  }
0xff: {  	v10 =	vld [tilespmem:s14+$0xFFFFFFE0]  }
0x100: {  	v12 =	vld [tilespmem:$0x67A0]  }
0x101: {  	v13 =	vld [tilespmem:$0x6720]  }
0x102: {  	v14 =	vld [tilespmem:$0x6820];
	v15 =	vmul.f32 v9, v8  }
0x103: {  	v9 =	vmul.f32 v9, v7  }
0x104: {  	v60 =	vmul.f32 v10, v8;
	v11 =	vadd.f32 v11, v15  }
0x105: {  	v10 =	vmul.f32 v10, v7;
	v9 =	vadd.f32 v12, v9  }
0x106: {  	v12 =	vadd.f32 v13, v60;
	[tilespmem:$0x66A0] =	vst v11  }
0x107: {  	v10 =	vadd.f32 v14, v10;
	[tilespmem:$0x67A0] =	vst v9  }
0x108: {  	[tilespmem:$0x6720] =	vst v12  }
0x109: {  	[tilespmem:$0x6820] =	vst v10  }
0x10a: {  	v9 =	vld [tilespmem:s15+$0xFFFFFFF0]  }
0x10b: {  	v11 =	vld [tilespmem:$0x66B0]  }
0x10c: {  	v10 =	vld [tilespmem:s14+$0xFFFFFFF0]  }
0x10d: {  	v12 =	vld [tilespmem:$0x67B0]  }
0x10e: {  	v13 =	vld [tilespmem:$0x6730]  }
0x10f: {  	v14 =	vld [tilespmem:$0x6830];
	v15 =	vmul.f32 v9, v8  }
0x110: {  	v9 =	vmul.f32 v9, v7  }
0x111: {  	v61 =	vmul.f32 v10, v8;
	v11 =	vadd.f32 v11, v15  }
0x112: {  	v10 =	vmul.f32 v10, v7;
	v9 =	vadd.f32 v12, v9  }
0x113: {  	v12 =	vadd.f32 v13, v61;
	[tilespmem:$0x66B0] =	vst v11  }
0x114: {  	v10 =	vadd.f32 v14, v10;
	[tilespmem:$0x67B0] =	vst v9  }
0x115: {  	[tilespmem:$0x6730] =	vst v12  }
0x116: {  	[tilespmem:$0x6830] =	vst v10  }
0x117: {  	v9 =	vld [tilespmem:s15+$0x0]  }
0x118: {  	v11 =	vld [tilespmem:$0x66C0]  }
0x119: {  	v10 =	vld [tilespmem:s14+$0x0]  }
0x11a: {  	v12 =	vld [tilespmem:$0x67C0]  }
0x11b: {  	v13 =	vld [tilespmem:$0x6740]  }
0x11c: {  	v14 =	vld [tilespmem:$0x6840];
	v15 =	vmul.f32 v9, v8  }
0x11d: {  	v9 =	vmul.f32 v9, v7  }
0x11e: {  	v62 =	vmul.f32 v10, v8;
	v11 =	vadd.f32 v11, v15  }
0x11f: {  	v10 =	vmul.f32 v10, v7;
	v9 =	vadd.f32 v12, v9  }
0x120: {  	v12 =	vadd.f32 v13, v62;
	[tilespmem:$0x66C0] =	vst v11  }
0x121: {  	v10 =	vadd.f32 v14, v10;
	[tilespmem:$0x67C0] =	vst v9  }
0x122: {  	[tilespmem:$0x6740] =	vst v12  }
0x123: {  	[tilespmem:$0x6840] =	vst v10  }
0x124: {  	v9 =	vld [tilespmem:s15+$0x10]  }
0x125: {  	v11 =	vld [tilespmem:$0x66D0]  }
0x126: {  	v10 =	vld [tilespmem:s14+$0x10]  }
0x127: {  	v12 =	vld [tilespmem:$0x67D0]  }
0x128: {  	v13 =	vld [tilespmem:$0x6850]  }
0x129: {  	v14 =	vld [tilespmem:$0x6750];
	v15 =	vmul.f32 v9, v8  }
0x12a: {  	v9 =	vmul.f32 v9, v7  }
0x12b: {  	v63 =	vmul.f32 v10, v7;
	v11 =	vadd.f32 v11, v15  }
0x12c: {  	v10 =	vmul.f32 v10, v8;
	v9 =	vadd.f32 v12, v9  }
0x12d: {  	v12 =	vadd.f32 v13, v63;
	[tilespmem:$0x66D0] =	vst v11  }
0x12e: {  	v11 =	vadd.f32 v14, v10;
	[tilespmem:$0x67D0] =	vst v9  }
0x12f: {  	v9 =	vld [tilespmem:$0x66E0];
	[tilespmem:$0x6850] =	vst v12  }
0x130: {  	v10 =	vld [tilespmem:$0x67E0];
	[tilespmem:$0x6750] =	vst v11  }
0x131: {  	v12 =	vld [tilespmem:s15+$0x20]  }
0x132: {  	s16 =	simm.s32 $0x1;
	s11 =	simm.s32 $0x5EC0;
	s20 =	simm.s32 $0x56C0;
	v11 =	vld [tilespmem:s14+$0x20]  }
.LBB2_6:
0x133: {  	p0 =	sne.s32 s16, $0xF;
	v13 =	vld [tilespmem:$0x6760];
	s14 =	sadd.s32 $0x80, s14;
	s15 =	sadd.s32 $0x80, s15  }
0x134: {  	s8 =	smov.u32 s16;
	s16 =	sadd.s32 $0x1, s16;
	v14 =	vld [tilespmem:$0x6860];
	_ =	sdelay $0x1  }
0x135: {  	v15 =	vmul.f32 v12, v8;
	v12 =	vmul.f32 v12, v7  }
0x136: {  	v16 =	vmul.f32 v11, v8;
	v11 =	vmul.f32 v11, v7  }
0x137: {  	v9 =	vadd.f32 v9, v15;
	v10 =	vadd.f32 v10, v12  }
0x138: {  	v12 =	vadd.f32 v13, v16;
	v11 =	vadd.f32 v14, v11  }
0x139: {  	[tilespmem:$0x66E0] =	vst v9;
	v13 =	vld [tilespmem:$0x66F0]  }
0x13a: {  	v9 =	vld [tilespmem:$0x66E0];
	[tilespmem:$0x67E0] =	vst v10  }
0x13b: {  	v10 =	vld [tilespmem:$0x67E0];
	[tilespmem:$0x6760] =	vst v12  }
0x13c: {  	[tilespmem:$0x6860] =	vst v11;
	v11 =	vld [tilespmem:$0x6770]  }
0x13d: {  	v12 =	vld [tilespmem:s20+$0x30];
	s20 =	smov.u32 s15  }
0x13e: {  	v14 =	vld [tilespmem:s11+$0x30];
	s11 =	smov.u32 s14  }
0x13f: {  	v15 =	vld [tilespmem:$0x67F0]  }
0x140: {  	v16 =	vld [tilespmem:$0x6870];
	_ =	sdelay $0x1  }
0x141: {  	v17 =	vmul.f32 v12, v8;
	v12 =	vmul.f32 v12, v7  }
0x142: {  	v8 =	vmul.f32 v14, v8;
	v7 =	vmul.f32 v14, v7  }
0x143: {  	v13 =	vadd.f32 v13, v17;
	v12 =	vadd.f32 v15, v12  }
0x144: {  	v8 =	vadd.f32 v11, v8;
	v7 =	vadd.f32 v16, v7  }
0x145: {  	[tilespmem:$0x66F0] =	vst v13  }
0x146: {  	[tilespmem:$0x67F0] =	vst v12  }
0x147: {  	v11 =	vld [tilespmem:$0x6780];
	[tilespmem:$0x6770] =	vst v8  }
0x148: {  	v12 =	vld [tilespmem:$0x6800];
	[tilespmem:$0x6870] =	vst v7  }
0x149: {  	v13 =	vld [tilespmem:s14+$0xFFFFFFC0]  }
0x14a: {  	v14 =	vld [tilespmem:s15+$0xFFFFFFC0]  }
0x14b: {  	v7 =	vmov s8;
	v15 =	vld [tilespmem:$0x6700]  }
0x14c: {  	v8 =	vperm.xlane v5, v7;
	v7 =	vperm.xlane v6, v7;
	v16 =	vld [tilespmem:$0x6680];
	_ =	sdelay $0x1  }
0x14d: {  	v17 =	vmul.f32 v13, v8;
	v13 =	vmul.f32 v13, v7  }
0x14e: {  	v18 =	vmul.f32 v14, v8;
	v14 =	vmul.f32 v14, v7  }
0x14f: {  	v15 =	vadd.f32 v15, v17;
	v12 =	vadd.f32 v12, v13  }
0x150: {  	v13 =	vadd.f32 v16, v18;
	v11 =	vadd.f32 v11, v14  }
0x151: {  	[tilespmem:$0x6700] =	vst v15  }
0x152: {  	[tilespmem:$0x6800] =	vst v12  }
0x153: {  	[tilespmem:$0x6680] =	vst v13;
	v12 =	vld [tilespmem:$0x6810]  }
0x154: {  	[tilespmem:$0x6780] =	vst v11;
	v11 =	vld [tilespmem:$0x6790]  }
0x155: {  	v13 =	vld [tilespmem:s15+$0xFFFFFFD0]  }
0x156: {  	v14 =	vld [tilespmem:s14+$0xFFFFFFD0]  }
0x157: {  	v15 =	vld [tilespmem:$0x6690]  }
0x158: {  	v16 =	vld [tilespmem:$0x6710];
	_ =	sdelay $0x1  }
0x159: {  	v17 =	vmul.f32 v13, v8;
	v13 =	vmul.f32 v13, v7  }
0x15a: {  	v18 =	vmul.f32 v14, v8;
	v14 =	vmul.f32 v14, v7  }
0x15b: {  	v15 =	vadd.f32 v15, v17;
	v11 =	vadd.f32 v11, v13  }
0x15c: {  	v13 =	vadd.f32 v16, v18;
	v12 =	vadd.f32 v12, v14  }
0x15d: {  	[tilespmem:$0x6790] =	vst v11  }
0x15e: {  	[tilespmem:$0x6710] =	vst v13  }
0x15f: {  	[tilespmem:$0x6690] =	vst v15;
	v11 =	vld [tilespmem:$0x6820]  }
0x160: {  	[tilespmem:$0x6810] =	vst v12;
	v12 =	vld [tilespmem:$0x67A0]  }
0x161: {  	v13 =	vld [tilespmem:s15+$0xFFFFFFE0]  }
0x162: {  	v14 =	vld [tilespmem:s14+$0xFFFFFFE0]  }
0x163: {  	v15 =	vld [tilespmem:$0x66A0]  }
0x164: {  	v16 =	vld [tilespmem:$0x6720];
	_ =	sdelay $0x1  }
0x165: {  	v17 =	vmul.f32 v13, v8;
	v13 =	vmul.f32 v13, v7  }
0x166: {  	v18 =	vmul.f32 v14, v8;
	v14 =	vmul.f32 v14, v7  }
0x167: {  	v15 =	vadd.f32 v15, v17;
	v12 =	vadd.f32 v12, v13  }
0x168: {  	v13 =	vadd.f32 v16, v18;
	v11 =	vadd.f32 v11, v14  }
0x169: {  	[tilespmem:$0x66A0] =	vst v15  }
0x16a: {  	[tilespmem:$0x67A0] =	vst v12  }
0x16b: {  	[tilespmem:$0x6720] =	vst v13;
	v12 =	vld [tilespmem:$0x6830]  }
0x16c: {  	[tilespmem:$0x6820] =	vst v11;
	v11 =	vld [tilespmem:$0x67B0]  }
0x16d: {  	v13 =	vld [tilespmem:s15+$0xFFFFFFF0]  }
0x16e: {  	v14 =	vld [tilespmem:s14+$0xFFFFFFF0]  }
0x16f: {  	v15 =	vld [tilespmem:$0x66B0]  }
0x170: {  	v16 =	vld [tilespmem:$0x6730];
	_ =	sdelay $0x1  }
0x171: {  	v17 =	vmul.f32 v13, v8;
	v13 =	vmul.f32 v13, v7  }
0x172: {  	v18 =	vmul.f32 v14, v8;
	v14 =	vmul.f32 v14, v7  }
0x173: {  	v15 =	vadd.f32 v15, v17;
	v11 =	vadd.f32 v11, v13  }
0x174: {  	v13 =	vadd.f32 v16, v18;
	v12 =	vadd.f32 v12, v14  }
0x175: {  	[tilespmem:$0x66B0] =	vst v15  }
0x176: {  	[tilespmem:$0x67B0] =	vst v11  }
0x177: {  	[tilespmem:$0x6730] =	vst v13;
	v11 =	vld [tilespmem:$0x6840]  }
0x178: {  	[tilespmem:$0x6830] =	vst v12;
	v12 =	vld [tilespmem:$0x67C0]  }
0x179: {  	v13 =	vld [tilespmem:s15+$0x0]  }
0x17a: {  	v14 =	vld [tilespmem:s14+$0x0]  }
0x17b: {  	v15 =	vld [tilespmem:$0x66C0]  }
0x17c: {  	v16 =	vld [tilespmem:$0x6740];
	_ =	sdelay $0x1  }
0x17d: {  	v17 =	vmul.f32 v13, v8;
	v13 =	vmul.f32 v13, v7  }
0x17e: {  	v18 =	vmul.f32 v14, v8;
	v14 =	vmul.f32 v14, v7  }
0x17f: {  	v15 =	vadd.f32 v15, v17;
	v12 =	vadd.f32 v12, v13  }
0x180: {  	v13 =	vadd.f32 v16, v18;
	v11 =	vadd.f32 v11, v14  }
0x181: {  	[tilespmem:$0x66C0] =	vst v15  }
0x182: {  	[tilespmem:$0x67C0] =	vst v12  }
0x183: {  	[tilespmem:$0x6740] =	vst v13;
	v12 =	vld [tilespmem:$0x6850]  }
0x184: {  	[tilespmem:$0x6840] =	vst v11;
	v11 =	vld [tilespmem:$0x67D0]  }
0x185: {  	v13 =	vld [tilespmem:s15+$0x10]  }
0x186: {  	v14 =	vld [tilespmem:s14+$0x10]  }
0x187: {  	v15 =	vld [tilespmem:$0x66D0]  }
0x188: {  	v16 =	vld [tilespmem:$0x6750];
	_ =	sdelay $0x1  }
0x189: {  	v17 =	vmul.f32 v13, v8;
	v13 =	vmul.f32 v13, v7  }
0x18a: {  	v18 =	vmul.f32 v14, v8;
	v14 =	vmul.f32 v14, v7  }
0x18b: {  	v15 =	vadd.f32 v15, v17;
	v11 =	vadd.f32 v11, v13  }
0x18c: {  	v13 =	vadd.f32 v16, v18;
	v12 =	vadd.f32 v12, v14  }
0x18d: {  	[tilespmem:$0x66D0] =	vst v15  }
.Ltmp8:
0x18e: {  	[tilespmem:$0x67D0] =	vst v11;
	(pc) =	sbr.rel @p0 .LBB2_6-.Ltmp8, $4  }
0x18f: {  	[tilespmem:$0x6850] =	vst v12  }
0x190: {  	[tilespmem:$0x6750] =	vst v13  }
0x191: {  	v12 =	vld [tilespmem:s15+$0x20]  }
0x192: {  	v11 =	vld [tilespmem:s14+$0x20]  }
.Ltmp9:
0x193: {  	_ = 	snop;
	(pc) =	sbr.rel .LBB2_7-.Ltmp9, $1  }
0x194: {  	_ =	sdelay $0x3  }
.LBB2_10:
.Ltmp10:
0x195: {  	(pc) =	sbr.rel .LBB2_11-.Ltmp10, $4  }
0x196: {  	s8 =	simm.s32 $0x7  }
0x197: {  	_ =	swait.ge [sflag:s8], $0x2800  }
0x198: {  	[sflag:s8] =	ssyncset.done $0x0  }
0x199: {  	s9 =	simm.s32 $0x8;
	[sflag:s8] =	ssyncadd.s32 $0xFFFFD800  }
.LBB2_18:
0x19a: {  	s9 =	sadd.s32 $0x1, s9  }
0x19b: {  	p0 =	sne.s32 s9, $0x10  }
.Ltmp11:
0x19c: {  	_ = 	snop;
	(pc) =	sbr.rel @!p0 .LBB2_19-.Ltmp11, $1  }
0x19d: {  	_ =	sdelay $0x3  }
.LBB2_11:
0x19e: {  	s8 =	smul.u32 $0x1400, s9;
	_ =	sdelay $0x1  }
0x19f: {  	s11 =	sshra.s32 s8, $0x2  }
0x1a0: {  	v5 =	vld [tilespmem:s11+$0x80]  }
0x1a1: {  	v6 =	vld [tilespmem:s11+$0x90]  }
0x1a2: {  	v7 =	vld [tilespmem:s11+$0xA0]  }
0x1a3: {  	v8 =	vld [tilespmem:s11+$0xB0]  }
0x1a4: {  	v9 =	vld [tilespmem:s11+$0xC0]  }
0x1a5: {  	v10 =	vld [tilespmem:s11+$0xD0]  }
0x1a6: {  	v11 =	vld [tilespmem:s11+$0xE0]  }
0x1a7: {  	v12 =	vld [tilespmem:s11+$0xF0]  }
0x1a8: {  	v13 =	vld [tilespmem:s11+$0x180]  }
0x1a9: {  	v14 =	vld [tilespmem:s11+$0x190]  }
0x1aa: {  	v15 =	vld [tilespmem:s11+$0x1A0]  }
0x1ab: {  	v16 =	vld [tilespmem:s11+$0x1B0]  }
0x1ac: {  	v17 =	vld [tilespmem:s11+$0x1C0]  }
0x1ad: {  	v18 =	vld [tilespmem:s11+$0x1D0]  }
0x1ae: {  	v19 =	vld [tilespmem:s11+$0x1E0]  }
0x1af: {  	v20 =	vld [tilespmem:s11+$0x1F0]  }
0x1b0: {  	v21 =	vld [tilespmem:s11+$0x280]  }
0x1b1: {  	v22 =	vld [tilespmem:s11+$0x290]  }
0x1b2: {  	v23 =	vld [tilespmem:s11+$0x2A0]  }
0x1b3: {  	v50 =	vld [tilespmem:s11+$0x2E0];
	vm0 =	veq.s32 v5, v4  }
0x1b4: {  	v51 =	vld [tilespmem:s11+$0x2F0];
	vm1 =	veq.s32 v6, v4;
	vm10 =	veq.s32 v7, v4;
	vm2 =	veq.s32 v8, v4  }
0x1b5: {  	v52 =	vld [tilespmem:s11+$0x380];
	vm11 =	veq.s32 v9, v4;
	vm3 =	veq.s32 v10, v4;
	vm12 =	veq.s32 v11, v4  }
0x1b6: {  	v53 =	vld [tilespmem:s11+$0x390];
	vm4 =	veq.s32 v13, v4;
	vm13 =	veq.s32 v14, v4;
	vm14 =	veq.s32 v15, v4  }
0x1b7: {  	v6 =	vld [tilespmem:s11+$0x2C0];
	vm15 =	veq.s32 v12, v4;
	vm8 =	veq.s32 v16, v4;
	vm9 =	veq.s32 v17, v4  }
0x1b8: {  	v7 =	vld [tilespmem:s11+$0x2D0];
	vm0 =	vmor vm0, vm1;
	vm1 =	vmor vm4, vm13;
	vm13 =	veq.s32 v19, v4  }
0x1b9: {  	v54 =	vld [tilespmem:s11+$0x3A0];
	vm0 =	vmor vm0, vm10;
	vm1 =	vmor vm1, vm14;
	vm10 =	veq.s32 v18, v4  }
0x1ba: {  	v5 =	vld [tilespmem:s11+$0x2B0];
	vm14 =	veq.s32 v23, v4;
	vm0 =	vmor vm0, vm2;
	vm1 =	vmor vm1, vm8  }
0x1bb: {  	v55 =	vld [tilespmem:s11+$0x3B0];
	vm8 =	veq.s32 v20, v4;
	vm0 =	vmor vm0, vm11;
	vm1 =	vmor vm1, vm9  }
0x1bc: {  	v56 =	vld [tilespmem:s11+$0x3C0];
	vm11 =	veq.s32 v21, v4;
	vm0 =	vmor vm0, vm3;
	vm1 =	vmor vm1, vm10  }
0x1bd: {  	v57 =	vld [tilespmem:s11+$0x3D0];
	vm9 =	veq.s32 v6, v4;
	vm10 =	veq.s32 v7, v4;
	vm0 =	vmor vm0, vm12  }
0x1be: {  	v58 =	vld [tilespmem:s11+$0x490];
	vm12 =	veq.s32 v22, v4;
	vm1 =	vmor vm1, vm13;
	vm0 =	vmor vm0, vm15  }
0x1bf: {  	v7 =	vld [tilespmem:s11+$0x480];
	vm2 =	vmor vm11, vm12;
	vm15 =	veq.s32 v5, v4;
	vm1 =	vmor vm1, vm8  }
0x1c0: {  	v59 =	vld [tilespmem:s11+$0x4A0];
	vm11 =	veq.s32 v50, v4;
	vm12 =	veq.s32 v52, v4;
	vm2 =	vmor vm2, vm14  }
0x1c1: {  	v60 =	vld [tilespmem:s11+$0x4B0];
	vm8 =	veq.s32 v54, v4;
	vm0 =	vmor vm0, vm1;
	vm2 =	vmor vm2, vm15  }
0x1c2: {  	v61 =	vld [tilespmem:s11+$0x4C0];
	vm14 =	veq.s32 v53, v4;
	vm15 =	veq.s32 v51, v4;
	vm2 =	vmor vm2, vm9  }
0x1c3: {  	v5 =	vld [tilespmem:s11+$0x3E0];
	vm9 =	veq.s32 v55, v4;
	vm2 =	vmor vm2, vm10;
	vm10 =	veq.s32 v56, v4  }
0x1c4: {  	v62 =	vld [tilespmem:s11+$0x4E0];
	vm13 =	vmor vm2, vm11;
	vm2 =	vmor vm12, vm14;
	vm11 =	veq.s32 v7, v4  }
0x1c5: {  	v7 =	vld [tilespmem:s11+$0x4D0];
	vm14 =	veq.s32 v57, v4;
	vm1 =	vmor vm13, vm15;
	vm2 =	vmor vm2, vm8  }
0x1c6: {  	v6 =	vld [tilespmem:s11+$0x3F0];
	vm13 =	veq.s32 v58, v4;
	vm15 =	veq.s32 v59, v4;
	vm2 =	vmor vm2, vm9  }
0x1c7: {  	v63 =	vld [tilespmem:s11+$0x4F0];
	vm8 =	veq.s32 v60, v4;
	vm12 =	vmor vm2, vm10;
	vm2 =	vmor vm11, vm13  }
0x1c8: {  	vm0 =	vmor vm0, vm1;
	vm9 =	veq.s32 v5, v4;
	vm2 =	vmor vm2, vm15  }
0x1c9: {  	vm10 =	veq.s32 v61, v4;
	vm13 =	veq.s32 v62, v4;
	vm2 =	vmor vm2, vm8  }
0x1ca: {  	vm1 =	vmor vm12, vm14;
	vm11 =	veq.s32 v7, v4;
	vm2 =	vmor vm2, vm10  }
0x1cb: {  	vm12 =	veq.s32 v6, v4;
	vm1 =	vmor vm1, vm9;
	vm2 =	vmor vm2, vm11  }
0x1cc: {  	vm14 =	veq.s32 v63, v4;
	vm1 =	vmor vm1, vm12;
	vm2 =	vmor vm2, vm13  }
0x1cd: {  	vm0 =	vmor vm0, vm1;
	vm15 =	vmor vm2, vm14  }
0x1ce: {  	vm0 =	vmor vm0, vm15  }
0x1cf: {  	v5 =	vsel vm0, $0x1, v2  }
0x1d0: {  	v5 =	vor.u32 $0x80000000, v5  }
0x1d1: {  	(xrf0) =	vmax.scan.msk.u32 $0xffff, v5;
	_ =	sdelay $0x5  }
0x1d2: {  	v5, _, _ =	vpop (xrf0)  }
0x1d3: {  	(v2sf) =	vpush v5, $0xF;
	_ =	sdelay $0xe  }
0x1d4: {  	s20 =	spop (v2sf)  }
0x1d5: {  	p0 =	slt.u32 s20, $0x80000001  }
.Ltmp12:
0x1d6: {  	_ = 	snop;
	(pc) =	sbr.rel @p0 .LBB2_18-.Ltmp12, $1  }
0x1d7: {  	_ =	sdelay $0x3  }
.Ltmp13:
0x1d8: {  	(pc) =	sbr.rel .LBB2_13-.Ltmp13, $2  }
0x1d9: {  	_ =	sdelay $0x2  }
0x1da: {  	s12 =	smul.u32 $0x28, s9;
	s13 =	simm.s32 $0x0  }
.LBB2_16:
0x1db: {  	v5 =	vld [tilespmem:$0x6760]  }
0x1dc: {  	v6 =	vld [tilespmem:$0x6860];
	v13 =	vmul.f32 v12, v8  }
0x1dd: {  	v57 =	vmul.f32 v12, v7  }
0x1de: {  	v14 =	vmul.f32 v11, v8;
	v9 =	vadd.f32 v9, v13  }
0x1df: {  	v58 =	vmul.f32 v11, v7;
	v10 =	vadd.f32 v10, v57  }
0x1e0: {  	[tilespmem:$0x66E0] =	vst v9;
	v5 =	vadd.f32 v5, v14  }
0x1e1: {  	[tilespmem:$0x67E0] =	vst v10;
	v6 =	vadd.f32 v6, v58  }
0x1e2: {  	[tilespmem:$0x6760] =	vst v5  }
0x1e3: {  	[tilespmem:$0x6860] =	vst v6  }
0x1e4: {  	v5 =	vld [tilespmem:s20+$0x30]  }
0x1e5: {  	v6 =	vld [tilespmem:$0x66F0]  }
0x1e6: {  	v9 =	vld [tilespmem:s11+$0x30]  }
0x1e7: {  	v59 =	vld [tilespmem:$0x67F0]  }
0x1e8: {  	v60 =	vld [tilespmem:$0x6770]  }
0x1e9: {  	v61 =	vld [tilespmem:$0x6870];
	v62 =	vmul.f32 v5, v8  }
0x1ea: {  	v5 =	vmul.f32 v5, v7  }
0x1eb: {  	v63 =	vmul.f32 v9, v8;
	v6 =	vadd.f32 v6, v62  }
0x1ec: {  	v7 =	vmul.f32 v9, v7;
	v5 =	vadd.f32 v59, v5  }
0x1ed: {  	v8 =	vadd.f32 v60, v63;
	[tilespmem:$0x66F0] =	vst v6  }
0x1ee: {  	v6 =	vadd.f32 v61, v7;
	[tilespmem:$0x67F0] =	vst v5  }
0x1ef: {  	[tilespmem:$0x6770] =	vst v8  }
0x1f0: {  	[tilespmem:$0x6870] =	vst v6  }
.LBB2_17:
0x1f1: {  	s13 =	sadd.s32 $0x1, s13  }
0x1f2: {  	p0 =	sne.s32 s13, $0x28  }
.Ltmp14:
0x1f3: {  	_ = 	snop;
	(pc) =	sbr.rel @!p0 .LBB2_18-.Ltmp14, $1  }
0x1f4: {  	_ =	sdelay $0x3  }
.LBB2_13:
0x1f5: {  	_ = 	snop  }
0x1f6: {  	s8 =	sadd.s32 s12, s13  }
0x1f7: {  	s11 =	sshll.u32 s8, $0x4;
	s8 =	sshll.u32 s8, $0x5  }
0x1f8: {  	s14 =	sand.u32 $0x70, s11;
	s8 =	sand.u32 $0xFF00, s8  }
0x1f9: {  	s8 =	sor.u32 s14, s8  }
0x1fa: {  	v6 =	vld [tilespmem:s8+$0x80];
	_ =	sdelay $0x2  }
0x1fb: {  	s11 =	sadd.s32 s10, s11  }
0x1fc: {  	v5 =	vor.u32 s11, v3  }
0x1fd: {  	vm1 =	vge.u32 v5, v0;
	vm0 =	veq.s32 v6, v4  }
0x1fe: {  	vm0 =	vmand vm1, vm0  }
0x1ff: {  	v6 =	vsel vm0, $0x3F800000, v1  }
0x200: {  	(xrf0) =	vmax.scan.msk.f32 $0xffff, v6;
	_ =	sdelay $0x5  }
0x201: {  	v7, _, _ =	vpop (xrf0)  }
0x202: {  	(v2sf) =	vpush v7, $0xF;
	_ =	sdelay $0xe  }
0x203: {  	s20 =	spop (v2sf)  }
0x204: {  	p0 =	sgt.f32 s20, $0.0e+00  }
.Ltmp15:
0x205: {  	_ = 	snop;
	(pc) =	sbr.rel @!p0 .LBB2_17-.Ltmp15, $1  }
0x206: {  	_ =	sdelay $0x3  }
0x207: {  	[tilespmem:$0x5400] =	vst v5  }
0x208: {  	[tilespmem:s23], [sflag:$0x2] =	stream.indirect.gather [hbm4b:s0+s21], $0x1, s22, s21, $0xb8;
	[tilespmem:$0x6900] =	vst v63  }
0x209: {  	_ = 	snop  }
0x20a: {  	[tilespmem:s24], [sflag:$0x3] =	stream.indirect.gather [hbm4b:s1+s21], $0x1, s22, s21, $0xb8;
	[tilespmem:$0x6900] =	vst v63  }
0x20b: {  	v5 =	vld [tilespmem:s8+$0x0];
	_ =	sdelay $0x4  }
0x20c: {  	[tilespmem:$0x5480] =	vst v5  }
0x20d: {  	_ =	swait.ge [sflag:s25], $0x10  }
0x20e: {  	[sflag:s25] =	ssyncset.done $0x0  }
0x20f: {  	[sflag:s25] =	ssyncadd.s32 $0xFFFFFFF0  }
0x210: {  	_ =	swait.ge [sflag:s26], $0x10  }
0x211: {  	[sflag:s26] =	ssyncset.done $0x0  }
0x212: {  	[sflag:s26] =	ssyncadd.s32 $0xFFFFFFF0  }
0x213: {  	[tilespmem:s29], [sflag:$0x4] =	stream.indirect.gather [hbm4b:s4+s21], $0x1, s28, s21, $0xb8;
	[tilespmem:$0x6900] =	vst v63  }
0x214: {  	_ = 	snop  }
0x215: {  	[tilespmem:s30], [sflag:$0x6] =	stream.indirect.gather [hbm4b:s7+s21], $0x80, s24, s21, $0xb8;
	[tilespmem:$0x6900] =	vst v63  }
0x216: {  	_ =	swait.ge [sflag:s31], $0x10  }
0x217: {  	[sflag:s31] =	ssyncset.done $0x0  }
0x218: {  	[sflag:s31] =	ssyncadd.s32 $0xFFFFFFF0  }
0x219: {  	[tilespmem:s5], [sflag:$0x5] =	stream.indirect.gather [hbm4b:s6+s21], $0x80, s29, s21, $0xb8;
	[tilespmem:$0x6900] =	vst v63  }
0x21a: {  	v5 =	vld [tilespmem:$0x5500];
	_ =	sdelay $0x3  }
0x21b: {  	v7 =	vld [tilespmem:$0x6880]  }
0x21c: {  	v5 =	vshll.u32 v5, $0x1  }
0x21d: {  	v8 =	vor.u32 $0x1, v5;
	_ =	sdelay $0x2  }
0x21e: {  	v7 =	vadd.f32 v7, v6  }
0x21f: {  	v5 =	vld.idx.msk [tilespmem:v5+s17+$0x0], $0xffff  }
0x220: {  	v8 =	vld.idx.msk [tilespmem:v8+s17+$0x0], $0xffff;
	[tilespmem:$0x6880] =	vst v7  }
0x221: {  	_ =	swait.ge [sflag:s3], $0x800  }
0x222: {  	[sflag:s3] =	ssyncset.done $0x0  }
0x223: {  	[sflag:s3] =	ssyncadd.s32 $0xFFFFF800  }
0x224: {  	_ =	swait.ge [sflag:s2], $0x800  }
0x225: {  	[sflag:s2] =	ssyncset.done $0x0  }
0x226: {  	s14 =	simm.s32 $0x5EC0;
	[sflag:s2] =	ssyncadd.s32 $0xFFFFF800  }
0x227: {  	s15 =	simm.s32 $0x56C0;
	v9 =	vld [tilespmem:s14+$0xFFFFFFC0]  }
0x228: {  	s20 =	simm.s32 $0x0;
	v5 =	vmul.f32 v5, v6;
	v10 =	vld [tilespmem:s15+$0xFFFFFFC0]  }
0x229: {  	v7 =	vmov s20;
	v6 =	vmul.f32 v8, v6;
	v11 =	vld [tilespmem:$0x6700]  }
0x22a: {  	v8 =	vperm.xlane v5, v7;
	v12 =	vld [tilespmem:$0x6800]  }
0x22b: {  	v7 =	vperm.xlane v6, v7;
	v13 =	vld [tilespmem:$0x6680]  }
0x22c: {  	v14 =	vld [tilespmem:$0x6780];
	v15 =	vmul.f32 v9, v8  }
0x22d: {  	v9 =	vmul.f32 v9, v7  }
0x22e: {  	v16 =	vmul.f32 v10, v8;
	v11 =	vadd.f32 v11, v15  }
0x22f: {  	v10 =	vmul.f32 v10, v7;
	v9 =	vadd.f32 v12, v9  }
0x230: {  	v12 =	vadd.f32 v13, v16;
	[tilespmem:$0x6700] =	vst v11  }
0x231: {  	v10 =	vadd.f32 v14, v10;
	[tilespmem:$0x6800] =	vst v9  }
0x232: {  	[tilespmem:$0x6680] =	vst v12  }
0x233: {  	[tilespmem:$0x6780] =	vst v10  }
0x234: {  	v9 =	vld [tilespmem:s15+$0xFFFFFFD0]  }
0x235: {  	v10 =	vld [tilespmem:s14+$0xFFFFFFD0]  }
0x236: {  	v11 =	vld [tilespmem:$0x6790]  }
0x237: {  	v12 =	vld [tilespmem:$0x6710]  }
0x238: {  	v13 =	vld [tilespmem:$0x6690]  }
0x239: {  	v14 =	vld [tilespmem:$0x6810];
	v15 =	vmul.f32 v9, v7  }
0x23a: {  	v59 =	vmul.f32 v10, v8  }
0x23b: {  	v9 =	vmul.f32 v9, v8;
	v11 =	vadd.f32 v11, v15  }
0x23c: {  	v10 =	vmul.f32 v10, v7;
	v12 =	vadd.f32 v12, v59  }
0x23d: {  	v9 =	vadd.f32 v13, v9;
	[tilespmem:$0x6790] =	vst v11  }
0x23e: {  	v10 =	vadd.f32 v14, v10;
	[tilespmem:$0x6710] =	vst v12  }
0x23f: {  	[tilespmem:$0x6690] =	vst v9  }
0x240: {  	[tilespmem:$0x6810] =	vst v10  }
0x241: {  	v9 =	vld [tilespmem:s15+$0xFFFFFFE0]  }
0x242: {  	v11 =	vld [tilespmem:$0x66A0]  }
0x243: {  	v10 =	vld [tilespmem:s14+$0xFFFFFFE0]  }
0x244: {  	v12 =	vld [tilespmem:$0x67A0]  }
0x245: {  	v13 =	vld [tilespmem:$0x6720]  }
0x246: {  	v14 =	vld [tilespmem:$0x6820];
	v15 =	vmul.f32 v9, v8  }
0x247: {  	v9 =	vmul.f32 v9, v7  }
0x248: {  	v60 =	vmul.f32 v10, v8;
	v11 =	vadd.f32 v11, v15  }
0x249: {  	v10 =	vmul.f32 v10, v7;
	v9 =	vadd.f32 v12, v9  }
0x24a: {  	v12 =	vadd.f32 v13, v60;
	[tilespmem:$0x66A0] =	vst v11  }
0x24b: {  	v10 =	vadd.f32 v14, v10;
	[tilespmem:$0x67A0] =	vst v9  }
0x24c: {  	[tilespmem:$0x6720] =	vst v12  }
0x24d: {  	[tilespmem:$0x6820] =	vst v10  }
0x24e: {  	v9 =	vld [tilespmem:s15+$0xFFFFFFF0]  }
0x24f: {  	v11 =	vld [tilespmem:$0x66B0]  }
0x250: {  	v10 =	vld [tilespmem:s14+$0xFFFFFFF0]  }
0x251: {  	v12 =	vld [tilespmem:$0x67B0]  }
0x252: {  	v13 =	vld [tilespmem:$0x6730]  }
0x253: {  	v14 =	vld [tilespmem:$0x6830];
	v15 =	vmul.f32 v9, v8  }
0x254: {  	v9 =	vmul.f32 v9, v7  }
0x255: {  	v61 =	vmul.f32 v10, v8;
	v11 =	vadd.f32 v11, v15  }
0x256: {  	v10 =	vmul.f32 v10, v7;
	v9 =	vadd.f32 v12, v9  }
0x257: {  	v12 =	vadd.f32 v13, v61;
	[tilespmem:$0x66B0] =	vst v11  }
0x258: {  	v10 =	vadd.f32 v14, v10;
	[tilespmem:$0x67B0] =	vst v9  }
0x259: {  	[tilespmem:$0x6730] =	vst v12  }
0x25a: {  	[tilespmem:$0x6830] =	vst v10  }
0x25b: {  	v9 =	vld [tilespmem:s15+$0x0]  }
0x25c: {  	v11 =	vld [tilespmem:$0x66C0]  }
0x25d: {  	v10 =	vld [tilespmem:s14+$0x0]  }
0x25e: {  	v12 =	vld [tilespmem:$0x67C0]  }
0x25f: {  	v13 =	vld [tilespmem:$0x6740]  }
0x260: {  	v14 =	vld [tilespmem:$0x6840];
	v15 =	vmul.f32 v9, v8  }
0x261: {  	v9 =	vmul.f32 v9, v7  }
0x262: {  	v62 =	vmul.f32 v10, v8;
	v11 =	vadd.f32 v11, v15  }
0x263: {  	v10 =	vmul.f32 v10, v7;
	v9 =	vadd.f32 v12, v9  }
0x264: {  	v12 =	vadd.f32 v13, v62;
	[tilespmem:$0x66C0] =	vst v11  }
0x265: {  	v10 =	vadd.f32 v14, v10;
	[tilespmem:$0x67C0] =	vst v9  }
0x266: {  	[tilespmem:$0x6740] =	vst v12  }
0x267: {  	[tilespmem:$0x6840] =	vst v10  }
0x268: {  	v9 =	vld [tilespmem:s15+$0x10]  }
0x269: {  	v11 =	vld [tilespmem:$0x66D0]  }
0x26a: {  	v10 =	vld [tilespmem:s14+$0x10]  }
0x26b: {  	v12 =	vld [tilespmem:$0x67D0]  }
0x26c: {  	v13 =	vld [tilespmem:$0x6850]  }
0x26d: {  	v14 =	vld [tilespmem:$0x6750];
	v15 =	vmul.f32 v9, v8  }
0x26e: {  	v9 =	vmul.f32 v9, v7  }
0x26f: {  	v63 =	vmul.f32 v10, v7;
	v11 =	vadd.f32 v11, v15  }
0x270: {  	v10 =	vmul.f32 v10, v8;
	v9 =	vadd.f32 v12, v9  }
0x271: {  	v12 =	vadd.f32 v13, v63;
	[tilespmem:$0x66D0] =	vst v11  }
0x272: {  	v11 =	vadd.f32 v14, v10;
	[tilespmem:$0x67D0] =	vst v9  }
0x273: {  	v9 =	vld [tilespmem:$0x66E0];
	[tilespmem:$0x6850] =	vst v12  }
0x274: {  	v10 =	vld [tilespmem:$0x67E0];
	[tilespmem:$0x6750] =	vst v11  }
0x275: {  	v12 =	vld [tilespmem:s15+$0x20]  }
0x276: {  	s16 =	simm.s32 $0x1;
	s11 =	simm.s32 $0x5EC0;
	s20 =	simm.s32 $0x56C0;
	v11 =	vld [tilespmem:s14+$0x20]  }
.LBB2_15:
0x277: {  	p0 =	sne.s32 s16, $0xF;
	v13 =	vld [tilespmem:$0x6760];
	s14 =	sadd.s32 $0x80, s14;
	s15 =	sadd.s32 $0x80, s15  }
0x278: {  	s8 =	smov.u32 s16;
	s16 =	sadd.s32 $0x1, s16;
	v14 =	vld [tilespmem:$0x6860];
	_ =	sdelay $0x1  }
0x279: {  	v15 =	vmul.f32 v12, v8;
	v12 =	vmul.f32 v12, v7  }
0x27a: {  	v16 =	vmul.f32 v11, v8;
	v11 =	vmul.f32 v11, v7  }
0x27b: {  	v9 =	vadd.f32 v9, v15;
	v10 =	vadd.f32 v10, v12  }
0x27c: {  	v12 =	vadd.f32 v13, v16;
	v11 =	vadd.f32 v14, v11  }
0x27d: {  	[tilespmem:$0x66E0] =	vst v9;
	v13 =	vld [tilespmem:$0x66F0]  }
0x27e: {  	v9 =	vld [tilespmem:$0x66E0];
	[tilespmem:$0x67E0] =	vst v10  }
0x27f: {  	v10 =	vld [tilespmem:$0x67E0];
	[tilespmem:$0x6760] =	vst v12  }
0x280: {  	[tilespmem:$0x6860] =	vst v11;
	v11 =	vld [tilespmem:$0x6770]  }
0x281: {  	v12 =	vld [tilespmem:s20+$0x30];
	s20 =	smov.u32 s15  }
0x282: {  	v14 =	vld [tilespmem:s11+$0x30];
	s11 =	smov.u32 s14  }
0x283: {  	v15 =	vld [tilespmem:$0x67F0]  }
0x284: {  	v16 =	vld [tilespmem:$0x6870];
	_ =	sdelay $0x1  }
0x285: {  	v17 =	vmul.f32 v12, v8;
	v12 =	vmul.f32 v12, v7  }
0x286: {  	v8 =	vmul.f32 v14, v8;
	v7 =	vmul.f32 v14, v7  }
0x287: {  	v13 =	vadd.f32 v13, v17;
	v12 =	vadd.f32 v15, v12  }
0x288: {  	v8 =	vadd.f32 v11, v8;
	v7 =	vadd.f32 v16, v7  }
0x289: {  	[tilespmem:$0x66F0] =	vst v13  }
0x28a: {  	[tilespmem:$0x67F0] =	vst v12  }
0x28b: {  	v11 =	vld [tilespmem:$0x6780];
	[tilespmem:$0x6770] =	vst v8  }
0x28c: {  	v12 =	vld [tilespmem:$0x6800];
	[tilespmem:$0x6870] =	vst v7  }
0x28d: {  	v13 =	vld [tilespmem:s14+$0xFFFFFFC0]  }
0x28e: {  	v14 =	vld [tilespmem:s15+$0xFFFFFFC0]  }
0x28f: {  	v7 =	vmov s8;
	v15 =	vld [tilespmem:$0x6700]  }
0x290: {  	v8 =	vperm.xlane v5, v7;
	v7 =	vperm.xlane v6, v7;
	v16 =	vld [tilespmem:$0x6680];
	_ =	sdelay $0x1  }
0x291: {  	v17 =	vmul.f32 v13, v8;
	v13 =	vmul.f32 v13, v7  }
0x292: {  	v18 =	vmul.f32 v14, v8;
	v14 =	vmul.f32 v14, v7  }
0x293: {  	v15 =	vadd.f32 v15, v17;
	v12 =	vadd.f32 v12, v13  }
0x294: {  	v13 =	vadd.f32 v16, v18;
	v11 =	vadd.f32 v11, v14  }
0x295: {  	[tilespmem:$0x6700] =	vst v15  }
0x296: {  	[tilespmem:$0x6800] =	vst v12  }
0x297: {  	[tilespmem:$0x6680] =	vst v13;
	v12 =	vld [tilespmem:$0x6810]  }
0x298: {  	[tilespmem:$0x6780] =	vst v11;
	v11 =	vld [tilespmem:$0x6790]  }
0x299: {  	v13 =	vld [tilespmem:s15+$0xFFFFFFD0]  }
0x29a: {  	v14 =	vld [tilespmem:s14+$0xFFFFFFD0]  }
0x29b: {  	v15 =	vld [tilespmem:$0x6690]  }
0x29c: {  	v16 =	vld [tilespmem:$0x6710];
	_ =	sdelay $0x1  }
0x29d: {  	v17 =	vmul.f32 v13, v8;
	v13 =	vmul.f32 v13, v7  }
0x29e: {  	v18 =	vmul.f32 v14, v8;
	v14 =	vmul.f32 v14, v7  }
0x29f: {  	v15 =	vadd.f32 v15, v17;
	v11 =	vadd.f32 v11, v13  }
0x2a0: {  	v13 =	vadd.f32 v16, v18;
	v12 =	vadd.f32 v12, v14  }
0x2a1: {  	[tilespmem:$0x6790] =	vst v11  }
0x2a2: {  	[tilespmem:$0x6710] =	vst v13  }
0x2a3: {  	[tilespmem:$0x6690] =	vst v15;
	v11 =	vld [tilespmem:$0x6820]  }
0x2a4: {  	[tilespmem:$0x6810] =	vst v12;
	v12 =	vld [tilespmem:$0x67A0]  }
0x2a5: {  	v13 =	vld [tilespmem:s15+$0xFFFFFFE0]  }
0x2a6: {  	v14 =	vld [tilespmem:s14+$0xFFFFFFE0]  }
0x2a7: {  	v15 =	vld [tilespmem:$0x66A0]  }
0x2a8: {  	v16 =	vld [tilespmem:$0x6720];
	_ =	sdelay $0x1  }
0x2a9: {  	v17 =	vmul.f32 v13, v8;
	v13 =	vmul.f32 v13, v7  }
0x2aa: {  	v18 =	vmul.f32 v14, v8;
	v14 =	vmul.f32 v14, v7  }
0x2ab: {  	v15 =	vadd.f32 v15, v17;
	v12 =	vadd.f32 v12, v13  }
0x2ac: {  	v13 =	vadd.f32 v16, v18;
	v11 =	vadd.f32 v11, v14  }
0x2ad: {  	[tilespmem:$0x66A0] =	vst v15  }
0x2ae: {  	[tilespmem:$0x67A0] =	vst v12  }
0x2af: {  	[tilespmem:$0x6720] =	vst v13;
	v12 =	vld [tilespmem:$0x6830]  }
0x2b0: {  	[tilespmem:$0x6820] =	vst v11;
	v11 =	vld [tilespmem:$0x67B0]  }
0x2b1: {  	v13 =	vld [tilespmem:s15+$0xFFFFFFF0]  }
0x2b2: {  	v14 =	vld [tilespmem:s14+$0xFFFFFFF0]  }
0x2b3: {  	v15 =	vld [tilespmem:$0x66B0]  }
0x2b4: {  	v16 =	vld [tilespmem:$0x6730];
	_ =	sdelay $0x1  }
0x2b5: {  	v17 =	vmul.f32 v13, v8;
	v13 =	vmul.f32 v13, v7  }
0x2b6: {  	v18 =	vmul.f32 v14, v8;
	v14 =	vmul.f32 v14, v7  }
0x2b7: {  	v15 =	vadd.f32 v15, v17;
	v11 =	vadd.f32 v11, v13  }
0x2b8: {  	v13 =	vadd.f32 v16, v18;
	v12 =	vadd.f32 v12, v14  }
0x2b9: {  	[tilespmem:$0x66B0] =	vst v15  }
0x2ba: {  	[tilespmem:$0x67B0] =	vst v11  }
0x2bb: {  	[tilespmem:$0x6730] =	vst v13;
	v11 =	vld [tilespmem:$0x6840]  }
0x2bc: {  	[tilespmem:$0x6830] =	vst v12;
	v12 =	vld [tilespmem:$0x67C0]  }
0x2bd: {  	v13 =	vld [tilespmem:s15+$0x0]  }
0x2be: {  	v14 =	vld [tilespmem:s14+$0x0]  }
0x2bf: {  	v15 =	vld [tilespmem:$0x66C0]  }
0x2c0: {  	v16 =	vld [tilespmem:$0x6740];
	_ =	sdelay $0x1  }
0x2c1: {  	v17 =	vmul.f32 v13, v8;
	v13 =	vmul.f32 v13, v7  }
0x2c2: {  	v18 =	vmul.f32 v14, v8;
	v14 =	vmul.f32 v14, v7  }
0x2c3: {  	v15 =	vadd.f32 v15, v17;
	v12 =	vadd.f32 v12, v13  }
0x2c4: {  	v13 =	vadd.f32 v16, v18;
	v11 =	vadd.f32 v11, v14  }
0x2c5: {  	[tilespmem:$0x66C0] =	vst v15  }
0x2c6: {  	[tilespmem:$0x67C0] =	vst v12  }
0x2c7: {  	[tilespmem:$0x6740] =	vst v13;
	v12 =	vld [tilespmem:$0x6850]  }
0x2c8: {  	[tilespmem:$0x6840] =	vst v11;
	v11 =	vld [tilespmem:$0x67D0]  }
0x2c9: {  	v13 =	vld [tilespmem:s15+$0x10]  }
0x2ca: {  	v14 =	vld [tilespmem:s14+$0x10]  }
0x2cb: {  	v15 =	vld [tilespmem:$0x66D0]  }
0x2cc: {  	v16 =	vld [tilespmem:$0x6750];
	_ =	sdelay $0x1  }
0x2cd: {  	v17 =	vmul.f32 v13, v8;
	v13 =	vmul.f32 v13, v7  }
0x2ce: {  	v18 =	vmul.f32 v14, v8;
	v14 =	vmul.f32 v14, v7  }
0x2cf: {  	v15 =	vadd.f32 v15, v17;
	v11 =	vadd.f32 v11, v13  }
0x2d0: {  	v13 =	vadd.f32 v16, v18;
	v12 =	vadd.f32 v12, v14  }
0x2d1: {  	[tilespmem:$0x66D0] =	vst v15  }
.Ltmp16:
0x2d2: {  	[tilespmem:$0x67D0] =	vst v11;
	(pc) =	sbr.rel @p0 .LBB2_15-.Ltmp16, $4  }
0x2d3: {  	[tilespmem:$0x6850] =	vst v12  }
0x2d4: {  	[tilespmem:$0x6750] =	vst v13  }
0x2d5: {  	v12 =	vld [tilespmem:s15+$0x20]  }
0x2d6: {  	v11 =	vld [tilespmem:s14+$0x20]  }
.Ltmp17:
0x2d7: {  	_ = 	snop;
	(pc) =	sbr.rel .LBB2_16-.Ltmp17, $1  }
0x2d8: {  	_ =	sdelay $0x3  }
.LBB2_20:
0x2d9: {  	_ =	sfence.sel $0x180000  }
0x2da: {  	[bflag:$0x0] =	sbarrier.arrive $0xFFFF  }
0x2db: {  	_ =	strace $0x90000047  }
0x2dc: {  	s0 =	stileid.u32;
	[bflag:$0x2] =	sbarrier.arrive $0xFFFF  }
0x2dd: {  	p0 =	sne.s32 s0, $0x0;
	s0 =	rddreg [dreg:$0x8]  }
0x2de: {  	s0 =	sadd.s32 @!p0 $0x100000, s0  }
0x2df: {  	[sflag:s0] =	ssyncadd.tile.s32 @!p0 $0x1;
	_ =	shalt  }
.Lfunc_end2:
_tile_overlayer_lowered:
.L_overlay_start_2:
0x2e0: {  	(tag) =	ssettag $0x2  }
0x2e1: {  	s0 =	rddreg [dreg:$0x0];
	s2 =	stileid.u32  }
0x2e2: {  	s1 =	rddreg [dreg:$0x1];
	p0 =	sne.s32 s2, $0x0  }
0x2e3: {  	s3 =	rddreg [dreg:$0x2];
	[bflag:$0x3] =	sbarrier.arrive $0xFFFF;
	s2 =	simm.s32 @!p0 $0x1C08  }
0x2e4: {  	[timem:s3], [sflag:s2] =	dma.local @!p0 [hbm:s0], s1  }
0x2e5: {  	s0 =	simm.s32 @!p0 $0x8  }
0x2e6: {  	_ =	swait.ge @!p0 [sflag:s0], s1  }
0x2e7: {  	s1 =	ssub.s32 @!p0 $0x0, s1;
	[sflag:s0] =	ssyncset.done @!p0 $0x0  }
0x2e8: {  	[sflag:s0] =	ssyncadd.s32 @!p0 s1  }
0x2e9: {  	[bflag:$0x3] =	sbarrier.arrive $0xFFFF  }
0x2ea: {  	_ =	shalt  }

</sc_bundles>
